<compile_context>
chip_gen: v7x
topology: tpu7x:2x2x1
jax: 0.10.2.dev20260603
libtpu: 0.0.44.dev20260713+nightly
codegen_flags: <defaults>
</compile_context>

<pallas_src>
import functools

import jax
import jax.numpy as jnp
from jax import lax
from jax.experimental import pallas as pl
from jax.experimental.pallas import tpu as pltpu
from jax.experimental.pallas import tpu_sc as plsc

SERIES = 8192
B = 4096
L = 200
NC, NS, LN = 2, 16, 16
NW = NC * NS
RW = B // NW
G = 4
GW = G * SERIES
NG = RW // G
NB = 2
STARTS = tuple(c * LN for c in range(12)) + (L - LN,)

_mesh = plsc.VectorSubcoreMesh(core_axis_name="c", subcore_axis_name="s")


@functools.partial(
    pl.kernel,
    out_type=jax.ShapeDtypeStruct((B, SERIES), jnp.float32),
    mesh=_mesh,
    scratch_types=[
        pltpu.VMEM((RW, L), jnp.int32),
        pltpu.VMEM((NB * G, SERIES), jnp.float32),
        pltpu.SemaphoreType.DMA,
        pltpu.SemaphoreType.DMA,
    ],
    compiler_params=pltpu.CompilerParams(needs_layout_passes=False),
)
def _sc_build(x_hbm, out_hbm, idx_v, rows_v, sem0, sem1):
    wid = lax.axis_index("s") * NC + lax.axis_index("c")
    orow = wid * RW
    sems = (sem0, sem1)

    idx_dma = pltpu.async_copy(x_hbm.at[pl.ds(wid * RW, RW)], idx_v, sem1)
    zero16 = jnp.zeros((LN,), jnp.float32)

    def zero_buf(b):
        @plsc.parallel_loop(0, SERIES // LN, unroll=8)
        def _zbody(p):
            for j in range(G):
                rows_v[b * G + j, pl.ds(p * LN, LN)] = zero16

    zero_buf(0)
    idx_dma.wait()

    one16 = jnp.full((LN,), 1.0, jnp.float32)
    zero16i = jnp.zeros((LN,), jnp.int32)
    lane0 = lax.iota(jnp.int32, LN) == zero16i

    def scat(g, brow, val):
        for r in range(G):
            row = g * G + r
            rvec = jnp.full((LN,), brow + r, jnp.int32)

            @plsc.parallel_loop(0, len(STARTS), unroll=13)
            def _cbody(c):
                start = jnp.minimum(c * LN, L - LN)
                idx = idx_v[row, pl.ds(start, LN)]
                plsc.store_scatter(rows_v, [rvec, idx], val)

    def build(g, brow):
        scat(g, brow, one16)
        for r in range(G):
            rvec = jnp.full((LN,), brow + r, jnp.int32)
            plsc.store_scatter(rows_v, [rvec, zero16i], zero16, mask=lane0)

    def dma_start(b, g):
        pltpu.async_copy(
            rows_v.at[pl.ds(b * G, G)],
            out_hbm.at[pl.ds(orow + g * G, G)],
            sems[b],
        )

    def dma_wait(b):
        pltpu.make_async_copy(
            rows_v.at[pl.ds(b * G, G)],
            out_hbm.at[pl.ds(orow, G)],
            sems[b],
        ).wait()

    build(jnp.int32(0), 0)
    dma_start(0, jnp.int32(0))
    zero_buf(1)
    build(jnp.int32(1), G)
    dma_start(1, jnp.int32(1))

    def outer(t, _):
        for b in range(NB):
            g = t * NB + b
            dma_wait(b)
            scat(g - NB, b * G, zero16)
            build(g, b * G)
            dma_start(b, g)
        return 0

    lax.fori_loop(1, NG // NB, outer, 0)

    for b in range(NB):
        dma_wait(b)


def kernel(x):
    return _sc_build(x.reshape(B, L))

# --- scband reference (transcript-rebuilt; emitter-appended) ---
"""Pipeline reference for scband-embed-peak-location-32779190403520 (READ-ONLY COPY).

The authoritative reference and input builder live on the scoring server;
editing this copy changes nothing except your own understanding.
"""

import jax, jax.numpy as jnp
import numpy as np

SERIES_LENGTH = 8192
B = 4096
L = 200

def setup_inputs(seed: int = 0) -> dict:
    key = jax.random.key(seed)
    x = jax.random.randint(key, (B, L, 1), 0, SERIES_LENGTH, dtype=jnp.int32)
    return {"x": x}

def reference(x):
    B_, L_, C_ = x.shape
    x2 = x.reshape(B_, L_)
    zeros = jnp.zeros(B_ * SERIES_LENGTH, dtype=jnp.float32)
    non_zero_multiidx = jnp.array((jnp.repeat(jnp.arange(B_), L_), jnp.reshape(x2, (-1,))))
    non_zero_inds = jnp.ravel_multi_index(non_zero_multiidx, (B_, SERIES_LENGTH), mode='clip')
    delta_series = jnp.reshape(zeros.at[non_zero_inds].set(1.0), (-1, SERIES_LENGTH))
    delta_series = delta_series.at[:, 0].set(0.0)
    return delta_series

if __name__ == "__main__":
    import jax
    _d = setup_inputs()
    print(jax.jit(kernel)(*tuple(_d.values())))

</pallas_src>

<mosaic_0001>
#map = affine_map<(d0, d1) -> (0, 0)>
module attributes {stable_mosaic.version = 14 : i64} {
  func.func @_sc_build(%arg0: i32, %arg1: i32, %arg2: memref<4096x200xi32, #tpu.memory_space<hbm>>, %arg3: memref<4096x8192xf32, #tpu.memory_space<hbm>>, %arg4: memref<128x200xi32, #tpu.memory_space<vmem>>, %arg5: memref<8x8192xf32, #tpu.memory_space<vmem>>, %arg6: memref<!tpu.dma_semaphore, #tpu.memory_space<semaphore_mem>>, %arg7: memref<!tpu.dma_semaphore, #tpu.memory_space<semaphore_mem>>) attributes {dimension_semantics = [#tpu.dimension_semantics<core_parallel>, #tpu.dimension_semantics<subcore_parallel>], iteration_bounds = array<i64: 2, 16>, scalar_prefetch = 0 : i64, scratch_operands = 4 : i64, tpu.core_type = #tpu.core_type<sc_vector_subcore>, window_params = [{transform_indices = #map}, {transform_indices = #map}]} {
    %mul3A = arith.constant 2 : i32
    %mul3A_0 = arith.muli %arg1, %mul3A : i32
    %add3A = arith.addi %mul3A_0, %arg0 : i32
    %mul3A_1 = arith.constant 128 : i32
    %mul3A_2 = arith.muli %add3A, %mul3A_1 : i32
    %mul3A_3 = arith.constant 128 : i32
    %mul3A_4 = arith.muli %add3A, %mul3A_3 : i32
    %dma_start3A = arith.constant 0 : i32
    %dma_start3A_5 = tpu.memref_slice %arg2[%mul3A_4, %dma_start3A] : memref<4096x200xi32, #tpu.memory_space<hbm>> -> memref<128x200xi32, #tpu.memory_space<hbm>>
    %dma_start3A_6 = arith.constant 0 : i32
    %dma_start3A_7 = tpu.memref_slice %arg2[%mul3A_4, %dma_start3A_6] : memref<4096x200xi32, #tpu.memory_space<hbm>> -> memref<128x200xi32, #tpu.memory_space<hbm>>
    tpu.enqueue_dma source(%dma_start3A_7 : memref<128x200xi32, #tpu.memory_space<hbm>>) target(%arg4 : memref<128x200xi32, #tpu.memory_space<vmem>>) target_semaphore(%arg7 : memref<!tpu.dma_semaphore, #tpu.memory_space<semaphore_mem>>)
    %broadcast_in_dim3A = arith.constant 0.000000e+00 : f32
    %broadcast_in_dim3A_8 = vector.broadcast %broadcast_in_dim3A : f32 to vector<16xf32>
    %parallel_loop3A = arith.constant 0 : i32
    %parallel_loop3A_9 = arith.constant 512 : i32
    %parallel_loop3A_10 = arith.constant 1 : i32
    scf.for %parallel_loop3A_171 = %parallel_loop3A to %parallel_loop3A_9 step %parallel_loop3A_10  : i32 {
      %parallel_loop3A_172 = arith.constant 16 : i32
      %parallel_loop3A_173 = arith.muli %parallel_loop3A_171, %parallel_loop3A_172 : i32
      %parallel_loop3A_174 = arith.constant 0 : i32
      %parallel_loop3A_175 = arith.index_cast %parallel_loop3A_174 : i32 to index
      %parallel_loop3A_176 = arith.index_cast %parallel_loop3A_173 : i32 to index
      %parallel_loop3A_177 = tpu.vector_load %arg5[%parallel_loop3A_175, %parallel_loop3A_176] {strides = array<i32>} : memref<8x8192xf32, #tpu.memory_space<vmem>>, vector<16xf32>,
      tpu.vector_store %arg5[%parallel_loop3A_175, %parallel_loop3A_176], %broadcast_in_dim3A_8 {strides = array<i32>} : memref<8x8192xf32, #tpu.memory_space<vmem>>, vector<16xf32>,
      %parallel_loop3A_178 = arith.constant 16 : i32
      %parallel_loop3A_179 = arith.muli %parallel_loop3A_171, %parallel_loop3A_178 : i32
      %parallel_loop3A_180 = arith.constant 1 : i32
      %parallel_loop3A_181 = arith.index_cast %parallel_loop3A_180 : i32 to index
      %parallel_loop3A_182 = arith.index_cast %parallel_loop3A_179 : i32 to index
      %parallel_loop3A_183 = tpu.vector_load %arg5[%parallel_loop3A_181, %parallel_loop3A_182] {strides = array<i32>} : memref<8x8192xf32, #tpu.memory_space<vmem>>, vector<16xf32>,
      tpu.vector_store %arg5[%parallel_loop3A_181, %parallel_loop3A_182], %broadcast_in_dim3A_8 {strides = array<i32>} : memref<8x8192xf32, #tpu.memory_space<vmem>>, vector<16xf32>,
      %parallel_loop3A_184 = arith.constant 16 : i32
      %parallel_loop3A_185 = arith.muli %parallel_loop3A_171, %parallel_loop3A_184 : i32
      %parallel_loop3A_186 = arith.constant 2 : i32
      %parallel_loop3A_187 = arith.index_cast %parallel_loop3A_186 : i32 to index
      %parallel_loop3A_188 = arith.index_cast %parallel_loop3A_185 : i32 to index
      %parallel_loop3A_189 = tpu.vector_load %arg5[%parallel_loop3A_187, %parallel_loop3A_188] {strides = array<i32>} : memref<8x8192xf32, #tpu.memory_space<vmem>>, vector<16xf32>,
      tpu.vector_store %arg5[%parallel_loop3A_187, %parallel_loop3A_188], %broadcast_in_dim3A_8 {strides = array<i32>} : memref<8x8192xf32, #tpu.memory_space<vmem>>, vector<16xf32>,
      %parallel_loop3A_190 = arith.constant 16 : i32
      %parallel_loop3A_191 = arith.muli %parallel_loop3A_171, %parallel_loop3A_190 : i32
      %parallel_loop3A_192 = arith.constant 3 : i32
      %parallel_loop3A_193 = arith.index_cast %parallel_loop3A_192 : i32 to index
      %parallel_loop3A_194 = arith.index_cast %parallel_loop3A_191 : i32 to index
      %parallel_loop3A_195 = tpu.vector_load %arg5[%parallel_loop3A_193, %parallel_loop3A_194] {strides = array<i32>} : memref<8x8192xf32, #tpu.memory_space<vmem>>, vector<16xf32>,
      tpu.vector_store %arg5[%parallel_loop3A_193, %parallel_loop3A_194], %broadcast_in_dim3A_8 {strides = array<i32>} : memref<8x8192xf32, #tpu.memory_space<vmem>>, vector<16xf32>,
    } {sc.loop_unroll_factor = 8 : i64, sc.parallel_access}
    %dma_wait3A = arith.constant 0 : i32
    %dma_wait3A_11 = tpu.memref_slice %arg2[%mul3A_4, %dma_wait3A] : memref<4096x200xi32, #tpu.memory_space<hbm>> -> memref<128x200xi32, #tpu.memory_space<hbm>>
    %dma_wait3A_12 = arith.constant 0 : i32
    %dma_wait3A_13 = tpu.memref_slice %arg2[%mul3A_4, %dma_wait3A_12] : memref<4096x200xi32, #tpu.memory_space<hbm>> -> memref<128x200xi32, #tpu.memory_space<hbm>>
    tpu.wait_dma2 semaphore(%arg7 : memref<!tpu.dma_semaphore, #tpu.memory_space<semaphore_mem>>) src(%dma_wait3A_13 : memref<128x200xi32, #tpu.memory_space<hbm>>) dst(%arg4 : memref<128x200xi32, #tpu.memory_space<vmem>>)
    %broadcast_in_dim3A_14 = arith.constant 1.000000e+00 : f32
    %broadcast_in_dim3A_15 = vector.broadcast %broadcast_in_dim3A_14 : f32 to vector<16xf32>
    %broadcast_in_dim3A_16 = arith.constant 0 : i32
    %broadcast_in_dim3A_17 = vector.broadcast %broadcast_in_dim3A_16 : i32 to vector<16xi32>
    %iota3A = tpu.iota {dimensions = array<i32: 0>} : vector<16xi32>
    %eq3A = arith.cmpi eq, %iota3A, %broadcast_in_dim3A_17 : vector<16xi32>
    %mul3A_18 = arith.constant 0 : i32
    %mul3A_19 = arith.constant 4 : i32
    %mul3A_20 = arith.muli %mul3A_18, %mul3A_19 : i32
    %add3A_21 = arith.constant 0 : i32
    %add3A_22 = arith.addi %mul3A_20, %add3A_21 : i32
    %broadcast_in_dim3A_23 = arith.constant 0 : i32
    %broadcast_in_dim3A_24 = vector.broadcast %broadcast_in_dim3A_23 : i32 to vector<16xi32>
    %parallel_loop3A_25 = arith.constant 0 : i32
    %parallel_loop3A_26 = arith.constant 13 : i32
    %parallel_loop3A_27 = arith.constant 1 : i32
    scf.for %parallel_loop3A_171 = %parallel_loop3A_25 to %parallel_loop3A_26 step %parallel_loop3A_27  : i32 {
      %parallel_loop3A_172 = arith.constant 16 : i32
      %parallel_loop3A_173 = arith.muli %parallel_loop3A_171, %parallel_loop3A_172 : i32
      %parallel_loop3A_174 = arith.constant 184 : i32
      %parallel_loop3A_175 = arith.minsi %parallel_loop3A_173, %parallel_loop3A_174 : i32
      %parallel_loop3A_176 = arith.index_cast %add3A_22 : i32 to index
      %parallel_loop3A_177 = arith.index_cast %parallel_loop3A_175 : i32 to index
      %parallel_loop3A_178 = tpu.vector_load %arg4[%parallel_loop3A_176, %parallel_loop3A_177] {strides = array<i32>} : memref<128x200xi32, #tpu.memory_space<vmem>>, vector<16xi32>,
      tpu.vector_store_idx %arg5[%broadcast_in_dim3A_24, %parallel_loop3A_178], %broadcast_in_dim3A_15 : memref<8x8192xf32, #tpu.memory_space<vmem>>[vector<16xi32>, vector<16xi32>], vector<16xf32>,
    } {sc.loop_unroll_factor = 13 : i64, sc.parallel_access}
    %mul3A_28 = arith.constant 0 : i32
    %mul3A_29 = arith.constant 4 : i32
    %mul3A_30 = arith.muli %mul3A_28, %mul3A_29 : i32
    %add3A_31 = arith.constant 1 : i32
    %add3A_32 = arith.addi %mul3A_30, %add3A_31 : i32
    %broadcast_in_dim3A_33 = arith.constant 1 : i32
    %broadcast_in_dim3A_34 = vector.broadcast %broadcast_in_dim3A_33 : i32 to vector<16xi32>
    %parallel_loop3A_35 = arith.constant 0 : i32
    %parallel_loop3A_36 = arith.constant 13 : i32
    %parallel_loop3A_37 = arith.constant 1 : i32
    scf.for %parallel_loop3A_171 = %parallel_loop3A_35 to %parallel_loop3A_36 step %parallel_loop3A_37  : i32 {
      %parallel_loop3A_172 = arith.constant 16 : i32
      %parallel_loop3A_173 = arith.muli %parallel_loop3A_171, %parallel_loop3A_172 : i32
      %parallel_loop3A_174 = arith.constant 184 : i32
      %parallel_loop3A_175 = arith.minsi %parallel_loop3A_173, %parallel_loop3A_174 : i32
      %parallel_loop3A_176 = arith.index_cast %add3A_32 : i32 to index
      %parallel_loop3A_177 = arith.index_cast %parallel_loop3A_175 : i32 to index
      %parallel_loop3A_178 = tpu.vector_load %arg4[%parallel_loop3A_176, %parallel_loop3A_177] {strides = array<i32>} : memref<128x200xi32, #tpu.memory_space<vmem>>, vector<16xi32>,
      tpu.vector_store_idx %arg5[%broadcast_in_dim3A_34, %parallel_loop3A_178], %broadcast_in_dim3A_15 : memref<8x8192xf32, #tpu.memory_space<vmem>>[vector<16xi32>, vector<16xi32>], vector<16xf32>,
    } {sc.loop_unroll_factor = 13 : i64, sc.parallel_access}
    %mul3A_38 = arith.constant 0 : i32
    %mul3A_39 = arith.constant 4 : i32
    %mul3A_40 = arith.muli %mul3A_38, %mul3A_39 : i32
    %add3A_41 = arith.constant 2 : i32
    %add3A_42 = arith.addi %mul3A_40, %add3A_41 : i32
    %broadcast_in_dim3A_43 = arith.constant 2 : i32
    %broadcast_in_dim3A_44 = vector.broadcast %broadcast_in_dim3A_43 : i32 to vector<16xi32>
    %parallel_loop3A_45 = arith.constant 0 : i32
    %parallel_loop3A_46 = arith.constant 13 : i32
    %parallel_loop3A_47 = arith.constant 1 : i32
    scf.for %parallel_loop3A_171 = %parallel_loop3A_45 to %parallel_loop3A_46 step %parallel_loop3A_47  : i32 {
      %parallel_loop3A_172 = arith.constant 16 : i32
      %parallel_loop3A_173 = arith.muli %parallel_loop3A_171, %parallel_loop3A_172 : i32
      %parallel_loop3A_174 = arith.constant 184 : i32
      %parallel_loop3A_175 = arith.minsi %parallel_loop3A_173, %parallel_loop3A_174 : i32
      %parallel_loop3A_176 = arith.index_cast %add3A_42 : i32 to index
      %parallel_loop3A_177 = arith.index_cast %parallel_loop3A_175 : i32 to index
      %parallel_loop3A_178 = tpu.vector_load %arg4[%parallel_loop3A_176, %parallel_loop3A_177] {strides = array<i32>} : memref<128x200xi32, #tpu.memory_space<vmem>>, vector<16xi32>,
      tpu.vector_store_idx %arg5[%broadcast_in_dim3A_44, %parallel_loop3A_178], %broadcast_in_dim3A_15 : memref<8x8192xf32, #tpu.memory_space<vmem>>[vector<16xi32>, vector<16xi32>], vector<16xf32>,
    } {sc.loop_unroll_factor = 13 : i64, sc.parallel_access}
    %mul3A_48 = arith.constant 0 : i32
    %mul3A_49 = arith.constant 4 : i32
    %mul3A_50 = arith.muli %mul3A_48, %mul3A_49 : i32
    %add3A_51 = arith.constant 3 : i32
    %add3A_52 = arith.addi %mul3A_50, %add3A_51 : i32
    %broadcast_in_dim3A_53 = arith.constant 3 : i32
    %broadcast_in_dim3A_54 = vector.broadcast %broadcast_in_dim3A_53 : i32 to vector<16xi32>
    %parallel_loop3A_55 = arith.constant 0 : i32
    %parallel_loop3A_56 = arith.constant 13 : i32
    %parallel_loop3A_57 = arith.constant 1 : i32
    scf.for %parallel_loop3A_171 = %parallel_loop3A_55 to %parallel_loop3A_56 step %parallel_loop3A_57  : i32 {
      %parallel_loop3A_172 = arith.constant 16 : i32
      %parallel_loop3A_173 = arith.muli %parallel_loop3A_171, %parallel_loop3A_172 : i32
      %parallel_loop3A_174 = arith.constant 184 : i32
      %parallel_loop3A_175 = arith.minsi %parallel_loop3A_173, %parallel_loop3A_174 : i32
      %parallel_loop3A_176 = arith.index_cast %add3A_52 : i32 to index
      %parallel_loop3A_177 = arith.index_cast %parallel_loop3A_175 : i32 to index
      %parallel_loop3A_178 = tpu.vector_load %arg4[%parallel_loop3A_176, %parallel_loop3A_177] {strides = array<i32>} : memref<128x200xi32, #tpu.memory_space<vmem>>, vector<16xi32>,
      tpu.vector_store_idx %arg5[%broadcast_in_dim3A_54, %parallel_loop3A_178], %broadcast_in_dim3A_15 : memref<8x8192xf32, #tpu.memory_space<vmem>>[vector<16xi32>, vector<16xi32>], vector<16xf32>,
    } {sc.loop_unroll_factor = 13 : i64, sc.parallel_access}
    %broadcast_in_dim3A_58 = arith.constant 0 : i32
    %broadcast_in_dim3A_59 = vector.broadcast %broadcast_in_dim3A_58 : i32 to vector<16xi32>
    tpu.vector_store_idx %arg5[%broadcast_in_dim3A_59, %broadcast_in_dim3A_17], %broadcast_in_dim3A_8 masked %eq3A : memref<8x8192xf32, #tpu.memory_space<vmem>>[vector<16xi32>, vector<16xi32>], vector<16xf32>, vector<16xi1>
    %broadcast_in_dim3A_60 = arith.constant 1 : i32
    %broadcast_in_dim3A_61 = vector.broadcast %broadcast_in_dim3A_60 : i32 to vector<16xi32>
    tpu.vector_store_idx %arg5[%broadcast_in_dim3A_61, %broadcast_in_dim3A_17], %broadcast_in_dim3A_8 masked %eq3A : memref<8x8192xf32, #tpu.memory_space<vmem>>[vector<16xi32>, vector<16xi32>], vector<16xf32>, vector<16xi1>
    %broadcast_in_dim3A_62 = arith.constant 2 : i32
    %broadcast_in_dim3A_63 = vector.broadcast %broadcast_in_dim3A_62 : i32 to vector<16xi32>
    tpu.vector_store_idx %arg5[%broadcast_in_dim3A_63, %broadcast_in_dim3A_17], %broadcast_in_dim3A_8 masked %eq3A : memref<8x8192xf32, #tpu.memory_space<vmem>>[vector<16xi32>, vector<16xi32>], vector<16xf32>, vector<16xi1>
    %broadcast_in_dim3A_64 = arith.constant 3 : i32
    %broadcast_in_dim3A_65 = vector.broadcast %broadcast_in_dim3A_64 : i32 to vector<16xi32>
    tpu.vector_store_idx %arg5[%broadcast_in_dim3A_65, %broadcast_in_dim3A_17], %broadcast_in_dim3A_8 masked %eq3A : memref<8x8192xf32, #tpu.memory_space<vmem>>[vector<16xi32>, vector<16xi32>], vector<16xf32>, vector<16xi1>
    %mul3A_66 = arith.constant 0 : i32
    %mul3A_67 = arith.constant 4 : i32
    %mul3A_68 = arith.muli %mul3A_66, %mul3A_67 : i32
    %add3A_69 = arith.addi %mul3A_2, %mul3A_68 : i32
    %dma_start3A_70 = arith.constant 0 : i32
    %dma_start3A_71 = arith.constant 0 : i32
    %dma_start3A_72 = tpu.memref_slice %arg5[%dma_start3A_70, %dma_start3A_71] : memref<8x8192xf32, #tpu.memory_space<vmem>> -> memref<4x8192xf32, #tpu.memory_space<vmem>>
    %dma_start3A_73 = arith.constant 0 : i32
    %dma_start3A_74 = tpu.memref_slice %arg3[%add3A_69, %dma_start3A_73] : memref<4096x8192xf32, #tpu.memory_space<hbm>> -> memref<4x8192xf32, #tpu.memory_space<hbm>>
    %dma_start3A_75 = arith.constant 0 : i32
    %dma_start3A_76 = tpu.memref_slice %arg3[%add3A_69, %dma_start3A_75] : memref<4096x8192xf32, #tpu.memory_space<hbm>> -> memref<4x8192xf32, #tpu.memory_space<hbm>>
    %dma_start3A_77 = arith.constant 0 : i32
    %dma_start3A_78 = arith.constant 0 : i32
    %dma_start3A_79 = tpu.memref_slice %arg5[%dma_start3A_77, %dma_start3A_78] : memref<8x8192xf32, #tpu.memory_space<vmem>> -> memref<4x8192xf32, #tpu.memory_space<vmem>>
    tpu.enqueue_dma source(%dma_start3A_79 : memref<4x8192xf32, #tpu.memory_space<vmem>>) target(%dma_start3A_76 : memref<4x8192xf32, #tpu.memory_space<hbm>>) target_semaphore(%arg6 : memref<!tpu.dma_semaphore, #tpu.memory_space<semaphore_mem>>)
    %parallel_loop3A_80 = arith.constant 0 : i32
    %parallel_loop3A_81 = arith.constant 512 : i32
    %parallel_loop3A_82 = arith.constant 1 : i32
    scf.for %parallel_loop3A_171 = %parallel_loop3A_80 to %parallel_loop3A_81 step %parallel_loop3A_82  : i32 {
      %parallel_loop3A_172 = arith.constant 16 : i32
      %parallel_loop3A_173 = arith.muli %parallel_loop3A_171, %parallel_loop3A_172 : i32
      %parallel_loop3A_174 = arith.constant 4 : i32
      %parallel_loop3A_175 = arith.index_cast %parallel_loop3A_174 : i32 to index
      %parallel_loop3A_176 = arith.index_cast %parallel_loop3A_173 : i32 to index
      %parallel_loop3A_177 = tpu.vector_load %arg5[%parallel_loop3A_175, %parallel_loop3A_176] {strides = array<i32>} : memref<8x8192xf32, #tpu.memory_space<vmem>>, vector<16xf32>,
      tpu.vector_store %arg5[%parallel_loop3A_175, %parallel_loop3A_176], %broadcast_in_dim3A_8 {strides = array<i32>} : memref<8x8192xf32, #tpu.memory_space<vmem>>, vector<16xf32>,
      %parallel_loop3A_178 = arith.constant 16 : i32
      %parallel_loop3A_179 = arith.muli %parallel_loop3A_171, %parallel_loop3A_178 : i32
      %parallel_loop3A_180 = arith.constant 5 : i32
      %parallel_loop3A_181 = arith.index_cast %parallel_loop3A_180 : i32 to index
      %parallel_loop3A_182 = arith.index_cast %parallel_loop3A_179 : i32 to index
      %parallel_loop3A_183 = tpu.vector_load %arg5[%parallel_loop3A_181, %parallel_loop3A_182] {strides = array<i32>} : memref<8x8192xf32, #tpu.memory_space<vmem>>, vector<16xf32>,
      tpu.vector_store %arg5[%parallel_loop3A_181, %parallel_loop3A_182], %broadcast_in_dim3A_8 {strides = array<i32>} : memref<8x8192xf32, #tpu.memory_space<vmem>>, vector<16xf32>,
      %parallel_loop3A_184 = arith.constant 16 : i32
      %parallel_loop3A_185 = arith.muli %parallel_loop3A_171, %parallel_loop3A_184 : i32
      %parallel_loop3A_186 = arith.constant 6 : i32
      %parallel_loop3A_187 = arith.index_cast %parallel_loop3A_186 : i32 to index
      %parallel_loop3A_188 = arith.index_cast %parallel_loop3A_185 : i32 to index
      %parallel_loop3A_189 = tpu.vector_load %arg5[%parallel_loop3A_187, %parallel_loop3A_188] {strides = array<i32>} : memref<8x8192xf32, #tpu.memory_space<vmem>>, vector<16xf32>,
      tpu.vector_store %arg5[%parallel_loop3A_187, %parallel_loop3A_188], %broadcast_in_dim3A_8 {strides = array<i32>} : memref<8x8192xf32, #tpu.memory_space<vmem>>, vector<16xf32>,
      %parallel_loop3A_190 = arith.constant 16 : i32
      %parallel_loop3A_191 = arith.muli %parallel_loop3A_171, %parallel_loop3A_190 : i32
      %parallel_loop3A_192 = arith.constant 7 : i32
      %parallel_loop3A_193 = arith.index_cast %parallel_loop3A_192 : i32 to index
      %parallel_loop3A_194 = arith.index_cast %parallel_loop3A_191 : i32 to index
      %parallel_loop3A_195 = tpu.vector_load %arg5[%parallel_loop3A_193, %parallel_loop3A_194] {strides = array<i32>} : memref<8x8192xf32, #tpu.memory_space<vmem>>, vector<16xf32>,
      tpu.vector_store %arg5[%parallel_loop3A_193, %parallel_loop3A_194], %broadcast_in_dim3A_8 {strides = array<i32>} : memref<8x8192xf32, #tpu.memory_space<vmem>>, vector<16xf32>,
    } {sc.loop_unroll_factor = 8 : i64, sc.parallel_access}
    %mul3A_83 = arith.constant 1 : i32
    %mul3A_84 = arith.constant 4 : i32
    %mul3A_85 = arith.muli %mul3A_83, %mul3A_84 : i32
    %add3A_86 = arith.constant 0 : i32
    %add3A_87 = arith.addi %mul3A_85, %add3A_86 : i32
    %broadcast_in_dim3A_88 = arith.constant 4 : i32
    %broadcast_in_dim3A_89 = vector.broadcast %broadcast_in_dim3A_88 : i32 to vector<16xi32>
    %parallel_loop3A_90 = arith.constant 0 : i32
    %parallel_loop3A_91 = arith.constant 13 : i32
    %parallel_loop3A_92 = arith.constant 1 : i32
    scf.for %parallel_loop3A_171 = %parallel_loop3A_90 to %parallel_loop3A_91 step %parallel_loop3A_92  : i32 {
      %parallel_loop3A_172 = arith.constant 16 : i32
      %parallel_loop3A_173 = arith.muli %parallel_loop3A_171, %parallel_loop3A_172 : i32
      %parallel_loop3A_174 = arith.constant 184 : i32
      %parallel_loop3A_175 = arith.minsi %parallel_loop3A_173, %parallel_loop3A_174 : i32
      %parallel_loop3A_176 = arith.index_cast %add3A_87 : i32 to index
      %parallel_loop3A_177 = arith.index_cast %parallel_loop3A_175 : i32 to index
      %parallel_loop3A_178 = tpu.vector_load %arg4[%parallel_loop3A_176, %parallel_loop3A_177] {strides = array<i32>} : memref<128x200xi32, #tpu.memory_space<vmem>>, vector<16xi32>,
      tpu.vector_store_idx %arg5[%broadcast_in_dim3A_89, %parallel_loop3A_178], %broadcast_in_dim3A_15 : memref<8x8192xf32, #tpu.memory_space<vmem>>[vector<16xi32>, vector<16xi32>], vector<16xf32>,
    } {sc.loop_unroll_factor = 13 : i64, sc.parallel_access}
    %mul3A_93 = arith.constant 1 : i32
    %mul3A_94 = arith.constant 4 : i32
    %mul3A_95 = arith.muli %mul3A_93, %mul3A_94 : i32
    %add3A_96 = arith.constant 1 : i32
    %add3A_97 = arith.addi %mul3A_95, %add3A_96 : i32
    %broadcast_in_dim3A_98 = arith.constant 5 : i32
    %broadcast_in_dim3A_99 = vector.broadcast %broadcast_in_dim3A_98 : i32 to vector<16xi32>
    %parallel_loop3A_100 = arith.constant 0 : i32
    %parallel_loop3A_101 = arith.constant 13 : i32
    %parallel_loop3A_102 = arith.constant 1 : i32
    scf.for %parallel_loop3A_171 = %parallel_loop3A_100 to %parallel_loop3A_101 step %parallel_loop3A_102  : i32 {
      %parallel_loop3A_172 = arith.constant 16 : i32
      %parallel_loop3A_173 = arith.muli %parallel_loop3A_171, %parallel_loop3A_172 : i32
      %parallel_loop3A_174 = arith.constant 184 : i32
      %parallel_loop3A_175 = arith.minsi %parallel_loop3A_173, %parallel_loop3A_174 : i32
      %parallel_loop3A_176 = arith.index_cast %add3A_97 : i32 to index
      %parallel_loop3A_177 = arith.index_cast %parallel_loop3A_175 : i32 to index
      %parallel_loop3A_178 = tpu.vector_load %arg4[%parallel_loop3A_176, %parallel_loop3A_177] {strides = array<i32>} : memref<128x200xi32, #tpu.memory_space<vmem>>, vector<16xi32>,
      tpu.vector_store_idx %arg5[%broadcast_in_dim3A_99, %parallel_loop3A_178], %broadcast_in_dim3A_15 : memref<8x8192xf32, #tpu.memory_space<vmem>>[vector<16xi32>, vector<16xi32>], vector<16xf32>,
    } {sc.loop_unroll_factor = 13 : i64, sc.parallel_access}
    %mul3A_103 = arith.constant 1 : i32
    %mul3A_104 = arith.constant 4 : i32
    %mul3A_105 = arith.muli %mul3A_103, %mul3A_104 : i32
    %add3A_106 = arith.constant 2 : i32
    %add3A_107 = arith.addi %mul3A_105, %add3A_106 : i32
    %broadcast_in_dim3A_108 = arith.constant 6 : i32
    %broadcast_in_dim3A_109 = vector.broadcast %broadcast_in_dim3A_108 : i32 to vector<16xi32>
    %parallel_loop3A_110 = arith.constant 0 : i32
    %parallel_loop3A_111 = arith.constant 13 : i32
    %parallel_loop3A_112 = arith.constant 1 : i32
    scf.for %parallel_loop3A_171 = %parallel_loop3A_110 to %parallel_loop3A_111 step %parallel_loop3A_112  : i32 {
      %parallel_loop3A_172 = arith.constant 16 : i32
      %parallel_loop3A_173 = arith.muli %parallel_loop3A_171, %parallel_loop3A_172 : i32
      %parallel_loop3A_174 = arith.constant 184 : i32
      %parallel_loop3A_175 = arith.minsi %parallel_loop3A_173, %parallel_loop3A_174 : i32
      %parallel_loop3A_176 = arith.index_cast %add3A_107 : i32 to index
      %parallel_loop3A_177 = arith.index_cast %parallel_loop3A_175 : i32 to index
      %parallel_loop3A_178 = tpu.vector_load %arg4[%parallel_loop3A_176, %parallel_loop3A_177] {strides = array<i32>} : memref<128x200xi32, #tpu.memory_space<vmem>>, vector<16xi32>,
      tpu.vector_store_idx %arg5[%broadcast_in_dim3A_109, %parallel_loop3A_178], %broadcast_in_dim3A_15 : memref<8x8192xf32, #tpu.memory_space<vmem>>[vector<16xi32>, vector<16xi32>], vector<16xf32>,
    } {sc.loop_unroll_factor = 13 : i64, sc.parallel_access}
    %mul3A_113 = arith.constant 1 : i32
    %mul3A_114 = arith.constant 4 : i32
    %mul3A_115 = arith.muli %mul3A_113, %mul3A_114 : i32
    %add3A_116 = arith.constant 3 : i32
    %add3A_117 = arith.addi %mul3A_115, %add3A_116 : i32
    %broadcast_in_dim3A_118 = arith.constant 7 : i32
    %broadcast_in_dim3A_119 = vector.broadcast %broadcast_in_dim3A_118 : i32 to vector<16xi32>
    %parallel_loop3A_120 = arith.constant 0 : i32
    %parallel_loop3A_121 = arith.constant 13 : i32
    %parallel_loop3A_122 = arith.constant 1 : i32
    scf.for %parallel_loop3A_171 = %parallel_loop3A_120 to %parallel_loop3A_121 step %parallel_loop3A_122  : i32 {
      %parallel_loop3A_172 = arith.constant 16 : i32
      %parallel_loop3A_173 = arith.muli %parallel_loop3A_171, %parallel_loop3A_172 : i32
      %parallel_loop3A_174 = arith.constant 184 : i32
      %parallel_loop3A_175 = arith.minsi %parallel_loop3A_173, %parallel_loop3A_174 : i32
      %parallel_loop3A_176 = arith.index_cast %add3A_117 : i32 to index
      %parallel_loop3A_177 = arith.index_cast %parallel_loop3A_175 : i32 to index
      %parallel_loop3A_178 = tpu.vector_load %arg4[%parallel_loop3A_176, %parallel_loop3A_177] {strides = array<i32>} : memref<128x200xi32, #tpu.memory_space<vmem>>, vector<16xi32>,
      tpu.vector_store_idx %arg5[%broadcast_in_dim3A_119, %parallel_loop3A_178], %broadcast_in_dim3A_15 : memref<8x8192xf32, #tpu.memory_space<vmem>>[vector<16xi32>, vector<16xi32>], vector<16xf32>,
    } {sc.loop_unroll_factor = 13 : i64, sc.parallel_access}
    %broadcast_in_dim3A_123 = arith.constant 4 : i32
    %broadcast_in_dim3A_124 = vector.broadcast %broadcast_in_dim3A_123 : i32 to vector<16xi32>
    tpu.vector_store_idx %arg5[%broadcast_in_dim3A_124, %broadcast_in_dim3A_17], %broadcast_in_dim3A_8 masked %eq3A : memref<8x8192xf32, #tpu.memory_space<vmem>>[vector<16xi32>, vector<16xi32>], vector<16xf32>, vector<16xi1>
    %broadcast_in_dim3A_125 = arith.constant 5 : i32
    %broadcast_in_dim3A_126 = vector.broadcast %broadcast_in_dim3A_125 : i32 to vector<16xi32>
    tpu.vector_store_idx %arg5[%broadcast_in_dim3A_126, %broadcast_in_dim3A_17], %broadcast_in_dim3A_8 masked %eq3A : memref<8x8192xf32, #tpu.memory_space<vmem>>[vector<16xi32>, vector<16xi32>], vector<16xf32>, vector<16xi1>
    %broadcast_in_dim3A_127 = arith.constant 6 : i32
    %broadcast_in_dim3A_128 = vector.broadcast %broadcast_in_dim3A_127 : i32 to vector<16xi32>
    tpu.vector_store_idx %arg5[%broadcast_in_dim3A_128, %broadcast_in_dim3A_17], %broadcast_in_dim3A_8 masked %eq3A : memref<8x8192xf32, #tpu.memory_space<vmem>>[vector<16xi32>, vector<16xi32>], vector<16xf32>, vector<16xi1>
    %broadcast_in_dim3A_129 = arith.constant 7 : i32
    %broadcast_in_dim3A_130 = vector.broadcast %broadcast_in_dim3A_129 : i32 to vector<16xi32>
    tpu.vector_store_idx %arg5[%broadcast_in_dim3A_130, %broadcast_in_dim3A_17], %broadcast_in_dim3A_8 masked %eq3A : memref<8x8192xf32, #tpu.memory_space<vmem>>[vector<16xi32>, vector<16xi32>], vector<16xf32>, vector<16xi1>
    %mul3A_131 = arith.constant 1 : i32
    %mul3A_132 = arith.constant 4 : i32
    %mul3A_133 = arith.muli %mul3A_131, %mul3A_132 : i32
    %add3A_134 = arith.addi %mul3A_2, %mul3A_133 : i32
    %dma_start3A_135 = arith.constant 4 : i32
    %dma_start3A_136 = arith.constant 0 : i32
    %dma_start3A_137 = tpu.memref_slice %arg5[%dma_start3A_135, %dma_start3A_136] : memref<8x8192xf32, #tpu.memory_space<vmem>> -> memref<4x8192xf32, #tpu.memory_space<vmem>>
    %dma_start3A_138 = arith.constant 0 : i32
    %dma_start3A_139 = tpu.memref_slice %arg3[%add3A_134, %dma_start3A_138] : memref<4096x8192xf32, #tpu.memory_space<hbm>> -> memref<4x8192xf32, #tpu.memory_space<hbm>>
    %dma_start3A_140 = arith.constant 0 : i32
    %dma_start3A_141 = tpu.memref_slice %arg3[%add3A_134, %dma_start3A_140] : memref<4096x8192xf32, #tpu.memory_space<hbm>> -> memref<4x8192xf32, #tpu.memory_space<hbm>>
    %dma_start3A_142 = arith.constant 4 : i32
    %dma_start3A_143 = arith.constant 0 : i32
    %dma_start3A_144 = tpu.memref_slice %arg5[%dma_start3A_142, %dma_start3A_143] : memref<8x8192xf32, #tpu.memory_space<vmem>> -> memref<4x8192xf32, #tpu.memory_space<vmem>>
    tpu.enqueue_dma source(%dma_start3A_144 : memref<4x8192xf32, #tpu.memory_space<vmem>>) target(%dma_start3A_141 : memref<4x8192xf32, #tpu.memory_space<hbm>>) target_semaphore(%arg7 : memref<!tpu.dma_semaphore, #tpu.memory_space<semaphore_mem>>)
    %scan3A = arith.constant 0 : i32
    %scan3A_145 = arith.constant 1 : i32
    %scan3A_146 = arith.constant 15 : i32
    %scan3A_147 = arith.addi %scan3A_145, %scan3A_146 : i32
    %scan3A_148 = arith.constant 1 : i32
    %scan3A_149 = scf.for %scan3A_171 = %scan3A_145 to %scan3A_147 step %scan3A_148 iter_args(%scan3A_172 = %scan3A) -> (i32)  : i32 {
      %mul3A_173 = arith.constant 2 : i32
      %mul3A_174 = arith.muli %scan3A_171, %mul3A_173 : i32
      %add3A_175 = arith.constant 0 : i32
      %add3A_176 = arith.addi %mul3A_174, %add3A_175 : i32
      %dma_wait3A_177 = arith.constant 0 : i32
      %dma_wait3A_178 = arith.constant 0 : i32
      %dma_wait3A_179 = tpu.memref_slice %arg5[%dma_wait3A_177, %dma_wait3A_178] : memref<8x8192xf32, #tpu.memory_space<vmem>> -> memref<4x8192xf32, #tpu.memory_space<vmem>>
      %dma_wait3A_180 = arith.constant 0 : i32
      %dma_wait3A_181 = tpu.memref_slice %arg3[%mul3A_2, %dma_wait3A_180] : memref<4096x8192xf32, #tpu.memory_space<hbm>> -> memref<4x8192xf32, #tpu.memory_space<hbm>>
      %dma_wait3A_182 = arith.constant 0 : i32
      %dma_wait3A_183 = tpu.memref_slice %arg3[%mul3A_2, %dma_wait3A_182] : memref<4096x8192xf32, #tpu.memory_space<hbm>> -> memref<4x8192xf32, #tpu.memory_space<hbm>>
      %dma_wait3A_184 = arith.constant 0 : i32
      %dma_wait3A_185 = arith.constant 0 : i32
      %dma_wait3A_186 = tpu.memref_slice %arg5[%dma_wait3A_184, %dma_wait3A_185] : memref<8x8192xf32, #tpu.memory_space<vmem>> -> memref<4x8192xf32, #tpu.memory_space<vmem>>
      tpu.wait_dma2 semaphore(%arg6 : memref<!tpu.dma_semaphore, #tpu.memory_space<semaphore_mem>>) src(%dma_wait3A_186 : memref<4x8192xf32, #tpu.memory_space<vmem>>) dst(%dma_wait3A_183 : memref<4x8192xf32, #tpu.memory_space<hbm>>)
      %sub3A = arith.constant 2 : i32
      %sub3A_187 = arith.subi %add3A_176, %sub3A : i32
      %mul3A_188 = arith.constant 4 : i32
      %mul3A_189 = arith.muli %sub3A_187, %mul3A_188 : i32
      %add3A_190 = arith.constant 0 : i32
      %add3A_191 = arith.addi %mul3A_189, %add3A_190 : i32
      %broadcast_in_dim3A_192 = arith.constant 0 : i32
      %broadcast_in_dim3A_193 = vector.broadcast %broadcast_in_dim3A_192 : i32 to vector<16xi32>
      %parallel_loop3A_194 = arith.constant 0 : i32
      %parallel_loop3A_195 = arith.constant 13 : i32
      %parallel_loop3A_196 = arith.constant 1 : i32
      scf.for %parallel_loop3A_391 = %parallel_loop3A_194 to %parallel_loop3A_195 step %parallel_loop3A_196  : i32 {
        %parallel_loop3A_392 = arith.constant 16 : i32
        %parallel_loop3A_393 = arith.muli %parallel_loop3A_391, %parallel_loop3A_392 : i32
        %parallel_loop3A_394 = arith.constant 184 : i32
        %parallel_loop3A_395 = arith.minsi %parallel_loop3A_393, %parallel_loop3A_394 : i32
        %parallel_loop3A_396 = arith.index_cast %add3A_191 : i32 to index
        %parallel_loop3A_397 = arith.index_cast %parallel_loop3A_395 : i32 to index
        %parallel_loop3A_398 = tpu.vector_load %arg4[%parallel_loop3A_396, %parallel_loop3A_397] {strides = array<i32>} : memref<128x200xi32, #tpu.memory_space<vmem>>, vector<16xi32>,
        tpu.vector_store_idx %arg5[%broadcast_in_dim3A_193, %parallel_loop3A_398], %broadcast_in_dim3A_8 : memref<8x8192xf32, #tpu.memory_space<vmem>>[vector<16xi32>, vector<16xi32>], vector<16xf32>,
      } {sc.loop_unroll_factor = 13 : i64, sc.parallel_access}
      %mul3A_197 = arith.constant 4 : i32
      %mul3A_198 = arith.muli %sub3A_187, %mul3A_197 : i32
      %add3A_199 = arith.constant 1 : i32
      %add3A_200 = arith.addi %mul3A_198, %add3A_199 : i32
      %broadcast_in_dim3A_201 = arith.constant 1 : i32
      %broadcast_in_dim3A_202 = vector.broadcast %broadcast_in_dim3A_201 : i32 to vector<16xi32>
      %parallel_loop3A_203 = arith.constant 0 : i32
      %parallel_loop3A_204 = arith.constant 13 : i32
      %parallel_loop3A_205 = arith.constant 1 : i32
      scf.for %parallel_loop3A_391 = %parallel_loop3A_203 to %parallel_loop3A_204 step %parallel_loop3A_205  : i32 {
        %parallel_loop3A_392 = arith.constant 16 : i32
        %parallel_loop3A_393 = arith.muli %parallel_loop3A_391, %parallel_loop3A_392 : i32
        %parallel_loop3A_394 = arith.constant 184 : i32
        %parallel_loop3A_395 = arith.minsi %parallel_loop3A_393, %parallel_loop3A_394 : i32
        %parallel_loop3A_396 = arith.index_cast %add3A_200 : i32 to index
        %parallel_loop3A_397 = arith.index_cast %parallel_loop3A_395 : i32 to index
        %parallel_loop3A_398 = tpu.vector_load %arg4[%parallel_loop3A_396, %parallel_loop3A_397] {strides = array<i32>} : memref<128x200xi32, #tpu.memory_space<vmem>>, vector<16xi32>,
        tpu.vector_store_idx %arg5[%broadcast_in_dim3A_202, %parallel_loop3A_398], %broadcast_in_dim3A_8 : memref<8x8192xf32, #tpu.memory_space<vmem>>[vector<16xi32>, vector<16xi32>], vector<16xf32>,
      } {sc.loop_unroll_factor = 13 : i64, sc.parallel_access}
      %mul3A_206 = arith.constant 4 : i32
      %mul3A_207 = arith.muli %sub3A_187, %mul3A_206 : i32
      %add3A_208 = arith.constant 2 : i32
      %add3A_209 = arith.addi %mul3A_207, %add3A_208 : i32
      %broadcast_in_dim3A_210 = arith.constant 2 : i32
      %broadcast_in_dim3A_211 = vector.broadcast %broadcast_in_dim3A_210 : i32 to vector<16xi32>
      %parallel_loop3A_212 = arith.constant 0 : i32
      %parallel_loop3A_213 = arith.constant 13 : i32
      %parallel_loop3A_214 = arith.constant 1 : i32
      scf.for %parallel_loop3A_391 = %parallel_loop3A_212 to %parallel_loop3A_213 step %parallel_loop3A_214  : i32 {
        %parallel_loop3A_392 = arith.constant 16 : i32
        %parallel_loop3A_393 = arith.muli %parallel_loop3A_391, %parallel_loop3A_392 : i32
        %parallel_loop3A_394 = arith.constant 184 : i32
        %parallel_loop3A_395 = arith.minsi %parallel_loop3A_393, %parallel_loop3A_394 : i32
        %parallel_loop3A_396 = arith.index_cast %add3A_209 : i32 to index
        %parallel_loop3A_397 = arith.index_cast %parallel_loop3A_395 : i32 to index
        %parallel_loop3A_398 = tpu.vector_load %arg4[%parallel_loop3A_396, %parallel_loop3A_397] {strides = array<i32>} : memref<128x200xi32, #tpu.memory_space<vmem>>, vector<16xi32>,
        tpu.vector_store_idx %arg5[%broadcast_in_dim3A_211, %parallel_loop3A_398], %broadcast_in_dim3A_8 : memref<8x8192xf32, #tpu.memory_space<vmem>>[vector<16xi32>, vector<16xi32>], vector<16xf32>,
      } {sc.loop_unroll_factor = 13 : i64, sc.parallel_access}
      %mul3A_215 = arith.constant 4 : i32
      %mul3A_216 = arith.muli %sub3A_187, %mul3A_215 : i32
      %add3A_217 = arith.constant 3 : i32
      %add3A_218 = arith.addi %mul3A_216, %add3A_217 : i32
      %broadcast_in_dim3A_219 = arith.constant 3 : i32
      %broadcast_in_dim3A_220 = vector.broadcast %broadcast_in_dim3A_219 : i32 to vector<16xi32>
      %parallel_loop3A_221 = arith.constant 0 : i32
      %parallel_loop3A_222 = arith.constant 13 : i32
      %parallel_loop3A_223 = arith.constant 1 : i32
      scf.for %parallel_loop3A_391 = %parallel_loop3A_221 to %parallel_loop3A_222 step %parallel_loop3A_223  : i32 {
        %parallel_loop3A_392 = arith.constant 16 : i32
        %parallel_loop3A_393 = arith.muli %parallel_loop3A_391, %parallel_loop3A_392 : i32
        %parallel_loop3A_394 = arith.constant 184 : i32
        %parallel_loop3A_395 = arith.minsi %parallel_loop3A_393, %parallel_loop3A_394 : i32
        %parallel_loop3A_396 = arith.index_cast %add3A_218 : i32 to index
        %parallel_loop3A_397 = arith.index_cast %parallel_loop3A_395 : i32 to index
        %parallel_loop3A_398 = tpu.vector_load %arg4[%parallel_loop3A_396, %parallel_loop3A_397] {strides = array<i32>} : memref<128x200xi32, #tpu.memory_space<vmem>>, vector<16xi32>,
        tpu.vector_store_idx %arg5[%broadcast_in_dim3A_220, %parallel_loop3A_398], %broadcast_in_dim3A_8 : memref<8x8192xf32, #tpu.memory_space<vmem>>[vector<16xi32>, vector<16xi32>], vector<16xf32>,
      } {sc.loop_unroll_factor = 13 : i64, sc.parallel_access}
      %mul3A_224 = arith.constant 4 : i32
      %mul3A_225 = arith.muli %add3A_176, %mul3A_224 : i32
      %add3A_226 = arith.constant 0 : i32
      %add3A_227 = arith.addi %mul3A_225, %add3A_226 : i32
      %broadcast_in_dim3A_228 = arith.constant 0 : i32
      %broadcast_in_dim3A_229 = vector.broadcast %broadcast_in_dim3A_228 : i32 to vector<16xi32>
      %parallel_loop3A_230 = arith.constant 0 : i32
      %parallel_loop3A_231 = arith.constant 13 : i32
      %parallel_loop3A_232 = arith.constant 1 : i32
      scf.for %parallel_loop3A_391 = %parallel_loop3A_230 to %parallel_loop3A_231 step %parallel_loop3A_232  : i32 {
        %parallel_loop3A_392 = arith.constant 16 : i32
        %parallel_loop3A_393 = arith.muli %parallel_loop3A_391, %parallel_loop3A_392 : i32
        %parallel_loop3A_394 = arith.constant 184 : i32
        %parallel_loop3A_395 = arith.minsi %parallel_loop3A_393, %parallel_loop3A_394 : i32
        %parallel_loop3A_396 = arith.index_cast %add3A_227 : i32 to index
        %parallel_loop3A_397 = arith.index_cast %parallel_loop3A_395 : i32 to index
        %parallel_loop3A_398 = tpu.vector_load %arg4[%parallel_loop3A_396, %parallel_loop3A_397] {strides = array<i32>} : memref<128x200xi32, #tpu.memory_space<vmem>>, vector<16xi32>,
        tpu.vector_store_idx %arg5[%broadcast_in_dim3A_229, %parallel_loop3A_398], %broadcast_in_dim3A_15 : memref<8x8192xf32, #tpu.memory_space<vmem>>[vector<16xi32>, vector<16xi32>], vector<16xf32>,
      } {sc.loop_unroll_factor = 13 : i64, sc.parallel_access}
      %mul3A_233 = arith.constant 4 : i32
      %mul3A_234 = arith.muli %add3A_176, %mul3A_233 : i32
      %add3A_235 = arith.constant 1 : i32
      %add3A_236 = arith.addi %mul3A_234, %add3A_235 : i32
      %broadcast_in_dim3A_237 = arith.constant 1 : i32
      %broadcast_in_dim3A_238 = vector.broadcast %broadcast_in_dim3A_237 : i32 to vector<16xi32>
      %parallel_loop3A_239 = arith.constant 0 : i32
      %parallel_loop3A_240 = arith.constant 13 : i32
      %parallel_loop3A_241 = arith.constant 1 : i32
      scf.for %parallel_loop3A_391 = %parallel_loop3A_239 to %parallel_loop3A_240 step %parallel_loop3A_241  : i32 {
        %parallel_loop3A_392 = arith.constant 16 : i32
        %parallel_loop3A_393 = arith.muli %parallel_loop3A_391, %parallel_loop3A_392 : i32
        %parallel_loop3A_394 = arith.constant 184 : i32
        %parallel_loop3A_395 = arith.minsi %parallel_loop3A_393, %parallel_loop3A_394 : i32
        %parallel_loop3A_396 = arith.index_cast %add3A_236 : i32 to index
        %parallel_loop3A_397 = arith.index_cast %parallel_loop3A_395 : i32 to index
        %parallel_loop3A_398 = tpu.vector_load %arg4[%parallel_loop3A_396, %parallel_loop3A_397] {strides = array<i32>} : memref<128x200xi32, #tpu.memory_space<vmem>>, vector<16xi32>,
        tpu.vector_store_idx %arg5[%broadcast_in_dim3A_238, %parallel_loop3A_398], %broadcast_in_dim3A_15 : memref<8x8192xf32, #tpu.memory_space<vmem>>[vector<16xi32>, vector<16xi32>], vector<16xf32>,
      } {sc.loop_unroll_factor = 13 : i64, sc.parallel_access}
      %mul3A_242 = arith.constant 4 : i32
      %mul3A_243 = arith.muli %add3A_176, %mul3A_242 : i32
      %add3A_244 = arith.constant 2 : i32
      %add3A_245 = arith.addi %mul3A_243, %add3A_244 : i32
      %broadcast_in_dim3A_246 = arith.constant 2 : i32
      %broadcast_in_dim3A_247 = vector.broadcast %broadcast_in_dim3A_246 : i32 to vector<16xi32>
      %parallel_loop3A_248 = arith.constant 0 : i32
      %parallel_loop3A_249 = arith.constant 13 : i32
      %parallel_loop3A_250 = arith.constant 1 : i32
      scf.for %parallel_loop3A_391 = %parallel_loop3A_248 to %parallel_loop3A_249 step %parallel_loop3A_250  : i32 {
        %parallel_loop3A_392 = arith.constant 16 : i32
        %parallel_loop3A_393 = arith.muli %parallel_loop3A_391, %parallel_loop3A_392 : i32
        %parallel_loop3A_394 = arith.constant 184 : i32
        %parallel_loop3A_395 = arith.minsi %parallel_loop3A_393, %parallel_loop3A_394 : i32
        %parallel_loop3A_396 = arith.index_cast %add3A_245 : i32 to index
        %parallel_loop3A_397 = arith.index_cast %parallel_loop3A_395 : i32 to index
        %parallel_loop3A_398 = tpu.vector_load %arg4[%parallel_loop3A_396, %parallel_loop3A_397] {strides = array<i32>} : memref<128x200xi32, #tpu.memory_space<vmem>>, vector<16xi32>,
        tpu.vector_store_idx %arg5[%broadcast_in_dim3A_247, %parallel_loop3A_398], %broadcast_in_dim3A_15 : memref<8x8192xf32, #tpu.memory_space<vmem>>[vector<16xi32>, vector<16xi32>], vector<16xf32>,
      } {sc.loop_unroll_factor = 13 : i64, sc.parallel_access}
      %mul3A_251 = arith.constant 4 : i32
      %mul3A_252 = arith.muli %add3A_176, %mul3A_251 : i32
      %add3A_253 = arith.constant 3 : i32
      %add3A_254 = arith.addi %mul3A_252, %add3A_253 : i32
      %broadcast_in_dim3A_255 = arith.constant 3 : i32
      %broadcast_in_dim3A_256 = vector.broadcast %broadcast_in_dim3A_255 : i32 to vector<16xi32>
      %parallel_loop3A_257 = arith.constant 0 : i32
      %parallel_loop3A_258 = arith.constant 13 : i32
      %parallel_loop3A_259 = arith.constant 1 : i32
      scf.for %parallel_loop3A_391 = %parallel_loop3A_257 to %parallel_loop3A_258 step %parallel_loop3A_259  : i32 {
        %parallel_loop3A_392 = arith.constant 16 : i32
        %parallel_loop3A_393 = arith.muli %parallel_loop3A_391, %parallel_loop3A_392 : i32
        %parallel_loop3A_394 = arith.constant 184 : i32
        %parallel_loop3A_395 = arith.minsi %parallel_loop3A_393, %parallel_loop3A_394 : i32
        %parallel_loop3A_396 = arith.index_cast %add3A_254 : i32 to index
        %parallel_loop3A_397 = arith.index_cast %parallel_loop3A_395 : i32 to index
        %parallel_loop3A_398 = tpu.vector_load %arg4[%parallel_loop3A_396, %parallel_loop3A_397] {strides = array<i32>} : memref<128x200xi32, #tpu.memory_space<vmem>>, vector<16xi32>,
        tpu.vector_store_idx %arg5[%broadcast_in_dim3A_256, %parallel_loop3A_398], %broadcast_in_dim3A_15 : memref<8x8192xf32, #tpu.memory_space<vmem>>[vector<16xi32>, vector<16xi32>], vector<16xf32>,
      } {sc.loop_unroll_factor = 13 : i64, sc.parallel_access}
      %broadcast_in_dim3A_260 = arith.constant 0 : i32
      %broadcast_in_dim3A_261 = vector.broadcast %broadcast_in_dim3A_260 : i32 to vector<16xi32>
      tpu.vector_store_idx %arg5[%broadcast_in_dim3A_261, %broadcast_in_dim3A_17], %broadcast_in_dim3A_8 masked %eq3A : memref<8x8192xf32, #tpu.memory_space<vmem>>[vector<16xi32>, vector<16xi32>], vector<16xf32>, vector<16xi1>
      %broadcast_in_dim3A_262 = arith.constant 1 : i32
      %broadcast_in_dim3A_263 = vector.broadcast %broadcast_in_dim3A_262 : i32 to vector<16xi32>
      tpu.vector_store_idx %arg5[%broadcast_in_dim3A_263, %broadcast_in_dim3A_17], %broadcast_in_dim3A_8 masked %eq3A : memref<8x8192xf32, #tpu.memory_space<vmem>>[vector<16xi32>, vector<16xi32>], vector<16xf32>, vector<16xi1>
      %broadcast_in_dim3A_264 = arith.constant 2 : i32
      %broadcast_in_dim3A_265 = vector.broadcast %broadcast_in_dim3A_264 : i32 to vector<16xi32>
      tpu.vector_store_idx %arg5[%broadcast_in_dim3A_265, %broadcast_in_dim3A_17], %broadcast_in_dim3A_8 masked %eq3A : memref<8x8192xf32, #tpu.memory_space<vmem>>[vector<16xi32>, vector<16xi32>], vector<16xf32>, vector<16xi1>
      %broadcast_in_dim3A_266 = arith.constant 3 : i32
      %broadcast_in_dim3A_267 = vector.broadcast %broadcast_in_dim3A_266 : i32 to vector<16xi32>
      tpu.vector_store_idx %arg5[%broadcast_in_dim3A_267, %broadcast_in_dim3A_17], %broadcast_in_dim3A_8 masked %eq3A : memref<8x8192xf32, #tpu.memory_space<vmem>>[vector<16xi32>, vector<16xi32>], vector<16xf32>, vector<16xi1>
      %mul3A_268 = arith.constant 4 : i32
      %mul3A_269 = arith.muli %add3A_176, %mul3A_268 : i32
      %add3A_270 = arith.addi %mul3A_2, %mul3A_269 : i32
      %dma_start3A_271 = arith.constant 0 : i32
      %dma_start3A_272 = arith.constant 0 : i32
      %dma_start3A_273 = tpu.memref_slice %arg5[%dma_start3A_271, %dma_start3A_272] : memref<8x8192xf32, #tpu.memory_space<vmem>> -> memref<4x8192xf32, #tpu.memory_space<vmem>>
      %dma_start3A_274 = arith.constant 0 : i32
      %dma_start3A_275 = tpu.memref_slice %arg3[%add3A_270, %dma_start3A_274] : memref<4096x8192xf32, #tpu.memory_space<hbm>> -> memref<4x8192xf32, #tpu.memory_space<hbm>>
      %dma_start3A_276 = arith.constant 0 : i32
      %dma_start3A_277 = tpu.memref_slice %arg3[%add3A_270, %dma_start3A_276] : memref<4096x8192xf32, #tpu.memory_space<hbm>> -> memref<4x8192xf32, #tpu.memory_space<hbm>>
      %dma_start3A_278 = arith.constant 0 : i32
      %dma_start3A_279 = arith.constant 0 : i32
      %dma_start3A_280 = tpu.memref_slice %arg5[%dma_start3A_278, %dma_start3A_279] : memref<8x8192xf32, #tpu.memory_space<vmem>> -> memref<4x8192xf32, #tpu.memory_space<vmem>>
      tpu.enqueue_dma source(%dma_start3A_280 : memref<4x8192xf32, #tpu.memory_space<vmem>>) target(%dma_start3A_277 : memref<4x8192xf32, #tpu.memory_space<hbm>>) target_semaphore(%arg6 : memref<!tpu.dma_semaphore, #tpu.memory_space<semaphore_mem>>)
      %mul3A_281 = arith.constant 2 : i32
      %mul3A_282 = arith.muli %scan3A_171, %mul3A_281 : i32
      %add3A_283 = arith.constant 1 : i32
      %add3A_284 = arith.addi %mul3A_282, %add3A_283 : i32
      %dma_wait3A_285 = arith.constant 4 : i32
      %dma_wait3A_286 = arith.constant 0 : i32
      %dma_wait3A_287 = tpu.memref_slice %arg5[%dma_wait3A_285, %dma_wait3A_286] : memref<8x8192xf32, #tpu.memory_space<vmem>> -> memref<4x8192xf32, #tpu.memory_space<vmem>>
      %dma_wait3A_288 = arith.constant 0 : i32
      %dma_wait3A_289 = tpu.memref_slice %arg3[%mul3A_2, %dma_wait3A_288] : memref<4096x8192xf32, #tpu.memory_space<hbm>> -> memref<4x8192xf32, #tpu.memory_space<hbm>>
      %dma_wait3A_290 = arith.constant 0 : i32
      %dma_wait3A_291 = tpu.memref_slice %arg3[%mul3A_2, %dma_wait3A_290] : memref<4096x8192xf32, #tpu.memory_space<hbm>> -> memref<4x8192xf32, #tpu.memory_space<hbm>>
      %dma_wait3A_292 = arith.constant 4 : i32
      %dma_wait3A_293 = arith.constant 0 : i32
      %dma_wait3A_294 = tpu.memref_slice %arg5[%dma_wait3A_292, %dma_wait3A_293] : memref<8x8192xf32, #tpu.memory_space<vmem>> -> memref<4x8192xf32, #tpu.memory_space<vmem>>
      tpu.wait_dma2 semaphore(%arg7 : memref<!tpu.dma_semaphore, #tpu.memory_space<semaphore_mem>>) src(%dma_wait3A_294 : memref<4x8192xf32, #tpu.memory_space<vmem>>) dst(%dma_wait3A_291 : memref<4x8192xf32, #tpu.memory_space<hbm>>)
      %sub3A_295 = arith.constant 2 : i32
      %sub3A_296 = arith.subi %add3A_284, %sub3A_295 : i32
      %mul3A_297 = arith.constant 4 : i32
      %mul3A_298 = arith.muli %sub3A_296, %mul3A_297 : i32
      %add3A_299 = arith.constant 0 : i32
      %add3A_300 = arith.addi %mul3A_298, %add3A_299 : i32
      %broadcast_in_dim3A_301 = arith.constant 4 : i32
      %broadcast_in_dim3A_302 = vector.broadcast %broadcast_in_dim3A_301 : i32 to vector<16xi32>
      %parallel_loop3A_303 = arith.constant 0 : i32
      %parallel_loop3A_304 = arith.constant 13 : i32
      %parallel_loop3A_305 = arith.constant 1 : i32
      scf.for %parallel_loop3A_391 = %parallel_loop3A_303 to %parallel_loop3A_304 step %parallel_loop3A_305  : i32 {
        %parallel_loop3A_392 = arith.constant 16 : i32
        %parallel_loop3A_393 = arith.muli %parallel_loop3A_391, %parallel_loop3A_392 : i32
        %parallel_loop3A_394 = arith.constant 184 : i32
        %parallel_loop3A_395 = arith.minsi %parallel_loop3A_393, %parallel_loop3A_394 : i32
        %parallel_loop3A_396 = arith.index_cast %add3A_300 : i32 to index
        %parallel_loop3A_397 = arith.index_cast %parallel_loop3A_395 : i32 to index
        %parallel_loop3A_398 = tpu.vector_load %arg4[%parallel_loop3A_396, %parallel_loop3A_397] {strides = array<i32>} : memref<128x200xi32, #tpu.memory_space<vmem>>, vector<16xi32>,
        tpu.vector_store_idx %arg5[%broadcast_in_dim3A_302, %parallel_loop3A_398], %broadcast_in_dim3A_8 : memref<8x8192xf32, #tpu.memory_space<vmem>>[vector<16xi32>, vector<16xi32>], vector<16xf32>,
      } {sc.loop_unroll_factor = 13 : i64, sc.parallel_access}
      %mul3A_306 = arith.constant 4 : i32
      %mul3A_307 = arith.muli %sub3A_296, %mul3A_306 : i32
      %add3A_308 = arith.constant 1 : i32
      %add3A_309 = arith.addi %mul3A_307, %add3A_308 : i32
      %broadcast_in_dim3A_310 = arith.constant 5 : i32
      %broadcast_in_dim3A_311 = vector.broadcast %broadcast_in_dim3A_310 : i32 to vector<16xi32>
      %parallel_loop3A_312 = arith.constant 0 : i32
      %parallel_loop3A_313 = arith.constant 13 : i32
      %parallel_loop3A_314 = arith.constant 1 : i32
      scf.for %parallel_loop3A_391 = %parallel_loop3A_312 to %parallel_loop3A_313 step %parallel_loop3A_314  : i32 {
        %parallel_loop3A_392 = arith.constant 16 : i32
        %parallel_loop3A_393 = arith.muli %parallel_loop3A_391, %parallel_loop3A_392 : i32
        %parallel_loop3A_394 = arith.constant 184 : i32
        %parallel_loop3A_395 = arith.minsi %parallel_loop3A_393, %parallel_loop3A_394 : i32
        %parallel_loop3A_396 = arith.index_cast %add3A_309 : i32 to index
        %parallel_loop3A_397 = arith.index_cast %parallel_loop3A_395 : i32 to index
        %parallel_loop3A_398 = tpu.vector_load %arg4[%parallel_loop3A_396, %parallel_loop3A_397] {strides = array<i32>} : memref<128x200xi32, #tpu.memory_space<vmem>>, vector<16xi32>,
        tpu.vector_store_idx %arg5[%broadcast_in_dim3A_311, %parallel_loop3A_398], %broadcast_in_dim3A_8 : memref<8x8192xf32, #tpu.memory_space<vmem>>[vector<16xi32>, vector<16xi32>], vector<16xf32>,
      } {sc.loop_unroll_factor = 13 : i64, sc.parallel_access}
      %mul3A_315 = arith.constant 4 : i32
      %mul3A_316 = arith.muli %sub3A_296, %mul3A_315 : i32
      %add3A_317 = arith.constant 2 : i32
      %add3A_318 = arith.addi %mul3A_316, %add3A_317 : i32
      %broadcast_in_dim3A_319 = arith.constant 6 : i32
      %broadcast_in_dim3A_320 = vector.broadcast %broadcast_in_dim3A_319 : i32 to vector<16xi32>
      %parallel_loop3A_321 = arith.constant 0 : i32
      %parallel_loop3A_322 = arith.constant 13 : i32
      %parallel_loop3A_323 = arith.constant 1 : i32
      scf.for %parallel_loop3A_391 = %parallel_loop3A_321 to %parallel_loop3A_322 step %parallel_loop3A_323  : i32 {
        %parallel_loop3A_392 = arith.constant 16 : i32
        %parallel_loop3A_393 = arith.muli %parallel_loop3A_391, %parallel_loop3A_392 : i32
        %parallel_loop3A_394 = arith.constant 184 : i32
        %parallel_loop3A_395 = arith.minsi %parallel_loop3A_393, %parallel_loop3A_394 : i32
        %parallel_loop3A_396 = arith.index_cast %add3A_318 : i32 to index
        %parallel_loop3A_397 = arith.index_cast %parallel_loop3A_395 : i32 to index
        %parallel_loop3A_398 = tpu.vector_load %arg4[%parallel_loop3A_396, %parallel_loop3A_397] {strides = array<i32>} : memref<128x200xi32, #tpu.memory_space<vmem>>, vector<16xi32>,
        tpu.vector_store_idx %arg5[%broadcast_in_dim3A_320, %parallel_loop3A_398], %broadcast_in_dim3A_8 : memref<8x8192xf32, #tpu.memory_space<vmem>>[vector<16xi32>, vector<16xi32>], vector<16xf32>,
      } {sc.loop_unroll_factor = 13 : i64, sc.parallel_access}
      %mul3A_324 = arith.constant 4 : i32
      %mul3A_325 = arith.muli %sub3A_296, %mul3A_324 : i32
      %add3A_326 = arith.constant 3 : i32
      %add3A_327 = arith.addi %mul3A_325, %add3A_326 : i32
      %broadcast_in_dim3A_328 = arith.constant 7 : i32
      %broadcast_in_dim3A_329 = vector.broadcast %broadcast_in_dim3A_328 : i32 to vector<16xi32>
      %parallel_loop3A_330 = arith.constant 0 : i32
      %parallel_loop3A_331 = arith.constant 13 : i32
      %parallel_loop3A_332 = arith.constant 1 : i32
      scf.for %parallel_loop3A_391 = %parallel_loop3A_330 to %parallel_loop3A_331 step %parallel_loop3A_332  : i32 {
        %parallel_loop3A_392 = arith.constant 16 : i32
        %parallel_loop3A_393 = arith.muli %parallel_loop3A_391, %parallel_loop3A_392 : i32
        %parallel_loop3A_394 = arith.constant 184 : i32
        %parallel_loop3A_395 = arith.minsi %parallel_loop3A_393, %parallel_loop3A_394 : i32
        %parallel_loop3A_396 = arith.index_cast %add3A_327 : i32 to index
        %parallel_loop3A_397 = arith.index_cast %parallel_loop3A_395 : i32 to index
        %parallel_loop3A_398 = tpu.vector_load %arg4[%parallel_loop3A_396, %parallel_loop3A_397] {strides = array<i32>} : memref<128x200xi32, #tpu.memory_space<vmem>>, vector<16xi32>,
        tpu.vector_store_idx %arg5[%broadcast_in_dim3A_329, %parallel_loop3A_398], %broadcast_in_dim3A_8 : memref<8x8192xf32, #tpu.memory_space<vmem>>[vector<16xi32>, vector<16xi32>], vector<16xf32>,
      } {sc.loop_unroll_factor = 13 : i64, sc.parallel_access}
      %mul3A_333 = arith.constant 4 : i32
      %mul3A_334 = arith.muli %add3A_284, %mul3A_333 : i32
      %add3A_335 = arith.constant 0 : i32
      %add3A_336 = arith.addi %mul3A_334, %add3A_335 : i32
      %broadcast_in_dim3A_337 = arith.constant 4 : i32
      %broadcast_in_dim3A_338 = vector.broadcast %broadcast_in_dim3A_337 : i32 to vector<16xi32>
      %parallel_loop3A_339 = arith.constant 0 : i32
      %parallel_loop3A_340 = arith.constant 13 : i32
      %parallel_loop3A_341 = arith.constant 1 : i32
      scf.for %parallel_loop3A_391 = %parallel_loop3A_339 to %parallel_loop3A_340 step %parallel_loop3A_341  : i32 {
        %parallel_loop3A_392 = arith.constant 16 : i32
        %parallel_loop3A_393 = arith.muli %parallel_loop3A_391, %parallel_loop3A_392 : i32
        %parallel_loop3A_394 = arith.constant 184 : i32
        %parallel_loop3A_395 = arith.minsi %parallel_loop3A_393, %parallel_loop3A_394 : i32
        %parallel_loop3A_396 = arith.index_cast %add3A_336 : i32 to index
        %parallel_loop3A_397 = arith.index_cast %parallel_loop3A_395 : i32 to index
        %parallel_loop3A_398 = tpu.vector_load %arg4[%parallel_loop3A_396, %parallel_loop3A_397] {strides = array<i32>} : memref<128x200xi32, #tpu.memory_space<vmem>>, vector<16xi32>,
        tpu.vector_store_idx %arg5[%broadcast_in_dim3A_338, %parallel_loop3A_398], %broadcast_in_dim3A_15 : memref<8x8192xf32, #tpu.memory_space<vmem>>[vector<16xi32>, vector<16xi32>], vector<16xf32>,
      } {sc.loop_unroll_factor = 13 : i64, sc.parallel_access}
      %mul3A_342 = arith.constant 4 : i32
      %mul3A_343 = arith.muli %add3A_284, %mul3A_342 : i32
      %add3A_344 = arith.constant 1 : i32
      %add3A_345 = arith.addi %mul3A_343, %add3A_344 : i32
      %broadcast_in_dim3A_346 = arith.constant 5 : i32
      %broadcast_in_dim3A_347 = vector.broadcast %broadcast_in_dim3A_346 : i32 to vector<16xi32>
      %parallel_loop3A_348 = arith.constant 0 : i32
      %parallel_loop3A_349 = arith.constant 13 : i32
      %parallel_loop3A_350 = arith.constant 1 : i32
      scf.for %parallel_loop3A_391 = %parallel_loop3A_348 to %parallel_loop3A_349 step %parallel_loop3A_350  : i32 {
        %parallel_loop3A_392 = arith.constant 16 : i32
        %parallel_loop3A_393 = arith.muli %parallel_loop3A_391, %parallel_loop3A_392 : i32
        %parallel_loop3A_394 = arith.constant 184 : i32
        %parallel_loop3A_395 = arith.minsi %parallel_loop3A_393, %parallel_loop3A_394 : i32
        %parallel_loop3A_396 = arith.index_cast %add3A_345 : i32 to index
        %parallel_loop3A_397 = arith.index_cast %parallel_loop3A_395 : i32 to index
        %parallel_loop3A_398 = tpu.vector_load %arg4[%parallel_loop3A_396, %parallel_loop3A_397] {strides = array<i32>} : memref<128x200xi32, #tpu.memory_space<vmem>>, vector<16xi32>,
        tpu.vector_store_idx %arg5[%broadcast_in_dim3A_347, %parallel_loop3A_398], %broadcast_in_dim3A_15 : memref<8x8192xf32, #tpu.memory_space<vmem>>[vector<16xi32>, vector<16xi32>], vector<16xf32>,
      } {sc.loop_unroll_factor = 13 : i64, sc.parallel_access}
      %mul3A_351 = arith.constant 4 : i32
      %mul3A_352 = arith.muli %add3A_284, %mul3A_351 : i32
      %add3A_353 = arith.constant 2 : i32
      %add3A_354 = arith.addi %mul3A_352, %add3A_353 : i32
      %broadcast_in_dim3A_355 = arith.constant 6 : i32
      %broadcast_in_dim3A_356 = vector.broadcast %broadcast_in_dim3A_355 : i32 to vector<16xi32>
      %parallel_loop3A_357 = arith.constant 0 : i32
      %parallel_loop3A_358 = arith.constant 13 : i32
      %parallel_loop3A_359 = arith.constant 1 : i32
      scf.for %parallel_loop3A_391 = %parallel_loop3A_357 to %parallel_loop3A_358 step %parallel_loop3A_359  : i32 {
        %parallel_loop3A_392 = arith.constant 16 : i32
        %parallel_loop3A_393 = arith.muli %parallel_loop3A_391, %parallel_loop3A_392 : i32
        %parallel_loop3A_394 = arith.constant 184 : i32
        %parallel_loop3A_395 = arith.minsi %parallel_loop3A_393, %parallel_loop3A_394 : i32
        %parallel_loop3A_396 = arith.index_cast %add3A_354 : i32 to index
        %parallel_loop3A_397 = arith.index_cast %parallel_loop3A_395 : i32 to index
        %parallel_loop3A_398 = tpu.vector_load %arg4[%parallel_loop3A_396, %parallel_loop3A_397] {strides = array<i32>} : memref<128x200xi32, #tpu.memory_space<vmem>>, vector<16xi32>,
        tpu.vector_store_idx %arg5[%broadcast_in_dim3A_356, %parallel_loop3A_398], %broadcast_in_dim3A_15 : memref<8x8192xf32, #tpu.memory_space<vmem>>[vector<16xi32>, vector<16xi32>], vector<16xf32>,
      } {sc.loop_unroll_factor = 13 : i64, sc.parallel_access}
      %mul3A_360 = arith.constant 4 : i32
      %mul3A_361 = arith.muli %add3A_284, %mul3A_360 : i32
      %add3A_362 = arith.constant 3 : i32
      %add3A_363 = arith.addi %mul3A_361, %add3A_362 : i32
      %broadcast_in_dim3A_364 = arith.constant 7 : i32
      %broadcast_in_dim3A_365 = vector.broadcast %broadcast_in_dim3A_364 : i32 to vector<16xi32>
      %parallel_loop3A_366 = arith.constant 0 : i32
      %parallel_loop3A_367 = arith.constant 13 : i32
      %parallel_loop3A_368 = arith.constant 1 : i32
      scf.for %parallel_loop3A_391 = %parallel_loop3A_366 to %parallel_loop3A_367 step %parallel_loop3A_368  : i32 {
        %parallel_loop3A_392 = arith.constant 16 : i32
        %parallel_loop3A_393 = arith.muli %parallel_loop3A_391, %parallel_loop3A_392 : i32
        %parallel_loop3A_394 = arith.constant 184 : i32
        %parallel_loop3A_395 = arith.minsi %parallel_loop3A_393, %parallel_loop3A_394 : i32
        %parallel_loop3A_396 = arith.index_cast %add3A_363 : i32 to index
        %parallel_loop3A_397 = arith.index_cast %parallel_loop3A_395 : i32 to index
        %parallel_loop3A_398 = tpu.vector_load %arg4[%parallel_loop3A_396, %parallel_loop3A_397] {strides = array<i32>} : memref<128x200xi32, #tpu.memory_space<vmem>>, vector<16xi32>,
        tpu.vector_store_idx %arg5[%broadcast_in_dim3A_365, %parallel_loop3A_398], %broadcast_in_dim3A_15 : memref<8x8192xf32, #tpu.memory_space<vmem>>[vector<16xi32>, vector<16xi32>], vector<16xf32>,
      } {sc.loop_unroll_factor = 13 : i64, sc.parallel_access}
      %broadcast_in_dim3A_369 = arith.constant 4 : i32
      %broadcast_in_dim3A_370 = vector.broadcast %broadcast_in_dim3A_369 : i32 to vector<16xi32>
      tpu.vector_store_idx %arg5[%broadcast_in_dim3A_370, %broadcast_in_dim3A_17], %broadcast_in_dim3A_8 masked %eq3A : memref<8x8192xf32, #tpu.memory_space<vmem>>[vector<16xi32>, vector<16xi32>], vector<16xf32>, vector<16xi1>
      %broadcast_in_dim3A_371 = arith.constant 5 : i32
      %broadcast_in_dim3A_372 = vector.broadcast %broadcast_in_dim3A_371 : i32 to vector<16xi32>
      tpu.vector_store_idx %arg5[%broadcast_in_dim3A_372, %broadcast_in_dim3A_17], %broadcast_in_dim3A_8 masked %eq3A : memref<8x8192xf32, #tpu.memory_space<vmem>>[vector<16xi32>, vector<16xi32>], vector<16xf32>, vector<16xi1>
      %broadcast_in_dim3A_373 = arith.constant 6 : i32
      %broadcast_in_dim3A_374 = vector.broadcast %broadcast_in_dim3A_373 : i32 to vector<16xi32>
      tpu.vector_store_idx %arg5[%broadcast_in_dim3A_374, %broadcast_in_dim3A_17], %broadcast_in_dim3A_8 masked %eq3A : memref<8x8192xf32, #tpu.memory_space<vmem>>[vector<16xi32>, vector<16xi32>], vector<16xf32>, vector<16xi1>
      %broadcast_in_dim3A_375 = arith.constant 7 : i32
      %broadcast_in_dim3A_376 = vector.broadcast %broadcast_in_dim3A_375 : i32 to vector<16xi32>
      tpu.vector_store_idx %arg5[%broadcast_in_dim3A_376, %broadcast_in_dim3A_17], %broadcast_in_dim3A_8 masked %eq3A : memref<8x8192xf32, #tpu.memory_space<vmem>>[vector<16xi32>, vector<16xi32>], vector<16xf32>, vector<16xi1>
      %mul3A_377 = arith.constant 4 : i32
      %mul3A_378 = arith.muli %add3A_284, %mul3A_377 : i32
      %add3A_379 = arith.addi %mul3A_2, %mul3A_378 : i32
      %dma_start3A_380 = arith.constant 4 : i32
      %dma_start3A_381 = arith.constant 0 : i32
      %dma_start3A_382 = tpu.memref_slice %arg5[%dma_start3A_380, %dma_start3A_381] : memref<8x8192xf32, #tpu.memory_space<vmem>> -> memref<4x8192xf32, #tpu.memory_space<vmem>>
      %dma_start3A_383 = arith.constant 0 : i32
      %dma_start3A_384 = tpu.memref_slice %arg3[%add3A_379, %dma_start3A_383] : memref<4096x8192xf32, #tpu.memory_space<hbm>> -> memref<4x8192xf32, #tpu.memory_space<hbm>>
      %dma_start3A_385 = arith.constant 0 : i32
      %dma_start3A_386 = tpu.memref_slice %arg3[%add3A_379, %dma_start3A_385] : memref<4096x8192xf32, #tpu.memory_space<hbm>> -> memref<4x8192xf32, #tpu.memory_space<hbm>>
      %dma_start3A_387 = arith.constant 4 : i32
      %dma_start3A_388 = arith.constant 0 : i32
      %dma_start3A_389 = tpu.memref_slice %arg5[%dma_start3A_387, %dma_start3A_388] : memref<8x8192xf32, #tpu.memory_space<vmem>> -> memref<4x8192xf32, #tpu.memory_space<vmem>>
      tpu.enqueue_dma source(%dma_start3A_389 : memref<4x8192xf32, #tpu.memory_space<vmem>>) target(%dma_start3A_386 : memref<4x8192xf32, #tpu.memory_space<hbm>>) target_semaphore(%arg7 : memref<!tpu.dma_semaphore, #tpu.memory_space<semaphore_mem>>)
      %scan3A_390 = arith.constant 0 : i32
      scf.yield %scan3A_390 : i32
    }
    %scan3A_150 = arith.constant 15 : i32
    %dma_wait3A_151 = arith.constant 0 : i32
    %dma_wait3A_152 = arith.constant 0 : i32
    %dma_wait3A_153 = tpu.memref_slice %arg5[%dma_wait3A_151, %dma_wait3A_152] : memref<8x8192xf32, #tpu.memory_space<vmem>> -> memref<4x8192xf32, #tpu.memory_space<vmem>>
    %dma_wait3A_154 = arith.constant 0 : i32
    %dma_wait3A_155 = tpu.memref_slice %arg3[%mul3A_2, %dma_wait3A_154] : memref<4096x8192xf32, #tpu.memory_space<hbm>> -> memref<4x8192xf32, #tpu.memory_space<hbm>>
    %dma_wait3A_156 = arith.constant 0 : i32
    %dma_wait3A_157 = tpu.memref_slice %arg3[%mul3A_2, %dma_wait3A_156] : memref<4096x8192xf32, #tpu.memory_space<hbm>> -> memref<4x8192xf32, #tpu.memory_space<hbm>>
    %dma_wait3A_158 = arith.constant 0 : i32
    %dma_wait3A_159 = arith.constant 0 : i32
    %dma_wait3A_160 = tpu.memref_slice %arg5[%dma_wait3A_158, %dma_wait3A_159] : memref<8x8192xf32, #tpu.memory_space<vmem>> -> memref<4x8192xf32, #tpu.memory_space<vmem>>
    tpu.wait_dma2 semaphore(%arg6 : memref<!tpu.dma_semaphore, #tpu.memory_space<semaphore_mem>>) src(%dma_wait3A_160 : memref<4x8192xf32, #tpu.memory_space<vmem>>) dst(%dma_wait3A_157 : memref<4x8192xf32, #tpu.memory_space<hbm>>)
    %dma_wait3A_161 = arith.constant 4 : i32
    %dma_wait3A_162 = arith.constant 0 : i32
    %dma_wait3A_163 = tpu.memref_slice %arg5[%dma_wait3A_161, %dma_wait3A_162] : memref<8x8192xf32, #tpu.memory_space<vmem>> -> memref<4x8192xf32, #tpu.memory_space<vmem>>
    %dma_wait3A_164 = arith.constant 0 : i32
    %dma_wait3A_165 = tpu.memref_slice %arg3[%mul3A_2, %dma_wait3A_164] : memref<4096x8192xf32, #tpu.memory_space<hbm>> -> memref<4x8192xf32, #tpu.memory_space<hbm>>
    %dma_wait3A_166 = arith.constant 0 : i32
    %dma_wait3A_167 = tpu.memref_slice %arg3[%mul3A_2, %dma_wait3A_166] : memref<4096x8192xf32, #tpu.memory_space<hbm>> -> memref<4x8192xf32, #tpu.memory_space<hbm>>
    %dma_wait3A_168 = arith.constant 4 : i32
    %dma_wait3A_169 = arith.constant 0 : i32
    %dma_wait3A_170 = tpu.memref_slice %arg5[%dma_wait3A_168, %dma_wait3A_169] : memref<8x8192xf32, #tpu.memory_space<vmem>> -> memref<4x8192xf32, #tpu.memory_space<vmem>>
    tpu.wait_dma2 semaphore(%arg7 : memref<!tpu.dma_semaphore, #tpu.memory_space<semaphore_mem>>) src(%dma_wait3A_170 : memref<4x8192xf32, #tpu.memory_space<vmem>>) dst(%dma_wait3A_167 : memref<4x8192xf32, #tpu.memory_space<hbm>>)
    return
  }
}

</mosaic_0001>

<sc_bundles>
// kernel: kernel.3.cloned.1.call-start
scs
__scs_entry_jumppad:
0x0: {  	(pc) =	sbr.rel $0x88, $3  }
0x1: {  	(tag) =	ssettag $0x0;
	lr =	simm.s32 $0x1  }
0x2: {  	[smem:$0x3FA0] =	sst lr;
	_ =	strace $0xD0000000  }
0x3: {  	_ = 	snop  }
0x4: {  	_ = 	snop  }
0x5: {  	_ = 	snop  }
0x6: {  	_ = 	snop  }
0x7: {  	_ = 	snop  }
__scs_overlays_trampoline_lowered:
0x8: {  	[smem:$0x3FAF] =	sst s0  }
0x9: {  	[smem:$0x3FB0] =	sst s1  }
0xa: {  	[smem:$0x3FB1] =	sst s2  }
0xb: {  	[smem:$0x3FB2] =	sst s3  }
0xc: {  	[smem:$0x3FB3] =	sst s4  }
0xd: {  	[smem:$0x3FB4] =	sst s5  }
0xe: {  	[smem:$0x3FB5] =	sst s6  }
0xf: {  	[smem:$0x3FB6] =	sst s7  }
0x10: {  	[smem:$0x3FB7] =	sst s8  }
0x11: {  	[smem:$0x3FB8] =	sst s9;
	s0 =	simm.s32 @!p0 $0x0  }
0x12: {  	s1 =	sld [smem:$0x3F9E];
	s0 =	simm.s32 @p0 $0x1  }
0x13: {  	[smem:$0x3FB9] =	sst s0;
	s0 =	simm.s32 @!p1 $0x0  }
0x14: {  	s2 =	sld [smem:$0x3F9D];
	s0 =	simm.s32 @p1 $0x1  }
0x15: {  	[smem:$0x3FBA] =	sst s0;
	s0 =	simm.s32 @!p2 $0x0  }
0x16: {  	s3 =	sld [smem:$0x3FDB];
	s0 =	simm.s32 @p2 $0x1  }
0x17: {  	s4 =	simm.s32 $0x1BF5;
	[smem:$0x3FBC] =	sst s0  }
0x18: {  	s0 =	sld [smem:$0x3F9F];
	_ =	swait.ge [sflag:s4], $0x0  }
0x19: {  	s7 =	sld [smem:$0x3FA0]  }
0x1a: {  	s8 =	sadd.s32 $0xFFFFE003, lr  }
0x1b: {  	s9 =	sadd.s32 $0xFFFFFEF7, lr;
	s5 =	simm.s32 $0xFFFFFFFF;
	p2 =	slt.u32 s8, $0xFFFFF086  }
0x1c: {  	p1 =	slt.u32 s9, $0xF7A;
	s5 =	simm.s32 @!p2 $0x0  }
0x1d: {  	s5 =	simm.s32 @p1 $0x1;
	p0 =	seq.s32 s7, s2  }
0x1e: {  	s7 =	smul.u32 @!p0 $0xF7A, s2;
	p2 =	seq.s32 @!p0 s5, $0x0  }
0x1f: {  	s9 =	smul.u32 $0xF7A, s1;
	s8 =	simm.s32 @!p0 $0x1BF5;
	p2 =	por !p2, p0  }
0x20: {  	[sflag:s8] =	ssyncset.s32 @!p0 $0xFFFFF086;
	s6 =	sadd.s32 @!p0 s3, s7;
	s7 =	simm.s32 @!p0 $0x108  }
0x21: {  	s3 =	sadd.s32 s3, s9;
	s6 =	sadd.s32 @!p0 $0x88, s6;
	s7 =	simm.s32 @p2 $0x1082  }
0x22: {  	[simem:s7], [sflag:s8] =	dma.local @!p0 [hbm:s6], $0xF7A  }
0x23: {  	s9 =	sor.u32 $0xD0000000, s2;
	s6 =	simm.s32 $0x108;
	_ =	swait.ge @!p0 [sflag:s8], $0x0  }
0x24: {  	s3 =	sadd.s32 $0x88, s3;
	s6 =	simm.s32 @!p1 $0x1082;
	[sflag:s4] =	ssyncset.s32 $0xFFFFF086  }
0x25: {  	[simem:s6], [sflag:s4] =	dma.local [hbm:s3], $0xF7A  }
0x26: {  	[smem:$0x3FA0] =	sst s1;
	(tag) =	ssettag s2;
	_ =	strace s9  }
0x27: {  	s1 =	sld [smem:$0x3FB0]  }
0x28: {  	s2 =	sld [smem:$0x3FB1]  }
0x29: {  	s4 =	sld [smem:$0x3FB3]  }
0x2a: {  	p0 =	seq.s32 s5, $0x0;
	s5 =	sld [smem:$0x3FB4]  }
0x2b: {  	s6 =	sld [smem:$0x3FB5]  }
0x2c: {  	s7 =	sld [smem:$0x3FB6]  }
0x2d: {  	s3 =	simm.s32 $0x108;
	s8 =	sld [smem:$0x3FB7]  }
0x2e: {  	s3 =	simm.s32 @!p0 $0x1082;
	s9 =	sld [smem:$0x3FB8]  }
0x2f: {  	lr =	sadd.s32 s0, s3;
	s0 =	sld [smem:$0x3FAF]  }
0x30: {  	s3 =	sld [smem:$0x3FB2]  }
0x31: {  	[smem:$0x3FBB] =	sst s10  }
0x32: {  	s10 =	sld [smem:$0x3FB9];
	_ =	sdelay $0x3  }
0x33: {  	p0 =	seq.s32 s10, $0x1;
	s10 =	sld [smem:$0x3FBB];
	_ =	sdelay $0x3  }
0x34: {  	[smem:$0x3FBB] =	sst s10  }
0x35: {  	s10 =	sld [smem:$0x3FBA];
	_ =	sdelay $0x3  }
0x36: {  	p1 =	seq.s32 s10, $0x1;
	s10 =	sld [smem:$0x3FBB];
	_ =	sdelay $0x3  }
0x37: {  	[smem:$0x3FBB] =	sst s10  }
0x38: {  	s10 =	sld [smem:$0x3FBC]  }
0x39: {  	_ = 	snop;
	(pc) =	sbr.ind lr, $3  }
0x3a: {  	_ = 	snop  }
0x3b: {  	_ = 	snop  }
0x3c: {  	p2 =	seq.s32 s10, $0x1;
	s10 =	sld [smem:$0x3FBB]  }
0x3d: {  	_ =	shalt  }
0x3e: {  	_ =	shalt  }
0x3f: {  	_ =	shalt  }
0x40: {  	_ =	shalt  }
0x41: {  	_ =	shalt  }
0x42: {  	_ =	shalt  }
0x43: {  	_ =	shalt  }
0x44: {  	_ =	shalt  }
0x45: {  	_ =	shalt  }
0x46: {  	_ =	shalt  }
0x47: {  	_ =	shalt  }
0x48: {  	_ =	shalt  }
0x49: {  	_ =	shalt  }
0x4a: {  	_ =	shalt  }
0x4b: {  	_ =	shalt  }
0x4c: {  	_ =	shalt  }
0x4d: {  	_ =	shalt  }
0x4e: {  	_ =	shalt  }
0x4f: {  	_ =	shalt  }
0x50: {  	_ =	shalt  }
0x51: {  	_ =	shalt  }
0x52: {  	_ =	shalt  }
0x53: {  	_ =	shalt  }
0x54: {  	_ =	shalt  }
0x55: {  	_ =	shalt  }
0x56: {  	_ =	shalt  }
0x57: {  	_ =	shalt  }
0x58: {  	_ =	shalt  }
0x59: {  	_ =	shalt  }
0x5a: {  	_ =	shalt  }
0x5b: {  	_ =	shalt  }
0x5c: {  	_ =	shalt  }
0x5d: {  	_ =	shalt  }
0x5e: {  	_ =	shalt  }
0x5f: {  	_ =	shalt  }
0x60: {  	_ =	shalt  }
0x61: {  	_ =	shalt  }
0x62: {  	_ =	shalt  }
0x63: {  	_ =	shalt  }
0x64: {  	_ =	shalt  }
0x65: {  	_ =	shalt  }
0x66: {  	_ =	shalt  }
0x67: {  	_ =	shalt  }
0x68: {  	_ =	shalt  }
0x69: {  	_ =	shalt  }
0x6a: {  	_ =	shalt  }
0x6b: {  	_ =	shalt  }
0x6c: {  	_ =	shalt  }
0x6d: {  	_ =	shalt  }
0x6e: {  	_ =	shalt  }
0x6f: {  	_ =	shalt  }
0x70: {  	_ =	shalt  }
0x71: {  	_ =	shalt  }
0x72: {  	_ =	shalt  }
0x73: {  	_ =	shalt  }
0x74: {  	_ =	shalt  }
0x75: {  	_ =	shalt  }
0x76: {  	_ =	shalt  }
0x77: {  	_ =	shalt  }
0x78: {  	_ =	shalt  }
0x79: {  	_ =	shalt  }
0x7a: {  	_ =	shalt  }
0x7b: {  	_ =	shalt  }
0x7c: {  	_ =	shalt  }
0x7d: {  	_ =	shalt  }
0x7e: {  	_ =	shalt  }
0x7f: {  	_ =	shalt  }
0x80: {  	_ =	shalt  }
0x81: {  	_ =	shalt  }
0x82: {  	_ =	shalt  }
0x83: {  	_ =	shalt  }
0x84: {  	_ =	shalt  }
0x85: {  	_ =	shalt  }
0x86: {  	_ =	shalt  }
0x87: {  	_ =	shalt  }
.Lfunc_end0:
.L_simem_size_0:
called_computation_lowered:
.L_overlay_start_0:
0x88: {  	s2 =	sld [smem:$0x3FD9]  }
0x89: {  	s3 =	sld [smem:$0x3FFE];
	_ =	sdelay $0x1  }
0x8a: {  	s1 =	srdreg.scid  }
0x8b: {  	s0 =	sand.u32 $0x1, s1  }
0x8c: {  	s17 =	sshll.u32 s0, $0xA;
	s2 =	sadd.s32 s3, s2  }
0x8d: {  	s2 =	sadd.s32 s2, s17  }
0x8e: {  	[smem:$0x3FC7] =	sst s2  }
0x8f: {  	_ = 	snop  }
0x90: {  	s2 =	sld [smem:$0x3FD0];
	(tm) =	ssettm $0x1  }
0x91: {  	s18 =	sld [smem:$0x3FFB];
	_ =	sdelay $0x3  }
0x92: {  	_ =	strace s18  }
0x93: {  	s3 =	sld [smem:$0x3FFC];
	_ =	sdelay $0x3  }
0x94: {  	_ =	strace s3  }
0x95: {  	s3 =	sld [smem:$0x3FFD];
	_ =	sdelay $0x3  }
0x96: {  	_ =	strace s3  }
0x97: {  	_ =	strace $0x8FFFFFFF  }
0x98: {  	s19 =	sld [smem:$0x3FDB];
	_ =	sdelay $0x1  }
0x99: {  	s4 =	simm.s32 $_scs_section_size  }
0x9a: {  	s5 =	simm.s32 $_size__tile_overlayer_lowered;
	s6 =	simm.s32 $_tile_overlayer_lowered  }
0x9b: {  	s22 =	simm.s32 $0x1BFF;
	s21 =	sshll.u32 s6, $0x1;
	s3 =	sadd.s32 s4, s19  }
0x9c: {  	s7 =	simm.s32 $0x0;
	s20 =	sshll.u32 s5, $0x1;
	s5 =	sadd.s32 s21, s3  }
0x9d: {  	[timem:s7], [sflag:s22] =	dma.local [hbm:s5], s20  }
0x9e: {  	_ =	swait.ge [sflag:s22], s20  }
0x9f: {  	s4 =	ssub.s32 $0x0, s20;
	[sflag:s22] =	ssyncset.done $0x0  }
0xa0: {  	[sflag:s22] =	ssyncadd.s32 s4;
	_ =	sdelay $0x1  }
0xa1: {  	s23 =	simm.s32 $0x1B8B  }
0xa2: {  	_ =	swait.ge [sflag:s23], $0x1  }
0xa3: {  	[sflag:s23] =	ssyncset.done $0x0  }
0xa4: {  	s25 =	simm.s32 $0x1B8E;
	s24 =	sld [smem:$0x3FFE];
	[sflag:s23] =	ssyncadd.s32 $0xFFFFFFFF  }
0xa5: {  	s26 =	simm.s32 $execute0_lowered;
	[smem:$0x3FD2] =	sst s25  }
0xa6: {  	s5 =	sshll.u32 s26, $0x1;
	_ =	strace $0x80000046;
	[dreg:$0x1] =	wrdreg $0xFFFFFFFF  }
0xa7: {  	s28 =	simm.s32 $_size_execute0_lowered;
	s3 =	sadd.s32 s3, s5;
	[dreg:$0x0] =	wrdreg $0x0  }
0xa8: {  	s5 =	sshll.u32 s28, $0x1;
	[dreg:$0x2] =	wrdreg s3  }
0xa9: {  	[dreg:$0x3] =	wrdreg s5  }
0xaa: {  	[dreg:$0x4] =	wrdreg $0xC0  }
0xab: {  	_ =	task [dreg:s7], $0x5FFFF  }
0xac: {  	[dreg:$0x1] =	wrdreg $0xFFFFFFFF  }
0xad: {  	[dreg:$0x0] =	wrdreg $0x60  }
0xae: {  	[dreg:$0x2] =	wrdreg s24  }
0xaf: {  	[dreg:$0x3] =	wrdreg s2  }
0xb0: {  	[dreg:$0x4] =	wrdreg $0x9  }
0xb1: {  	_ =	task.clear_ibuf [dreg:s7], $0x5FFFF;
	_ =	strace $0x90000046  }
0xb2: {  	s29 =	simm.s32 $0x9;
	_ =	strace $0x80000048  }
0xb3: {  	_ =	swait.ge [sflag:s29], $0x1  }
0xb4: {  	[sflag:s29] =	ssyncadd.s32 $0xFFFFFFFF  }
0xb5: {  	_ =	strace $0x90000048  }
0xb6: {  	_ =	sfence  }
0xb7: {  	s30 =	sld [smem:$0x0];
	_ =	sdelay $0x2  }
0xb8: {  	s31 =	sshll.u32 s1, $0xD;
	s1 =	sshrl.u32 s1, $0x2  }
0xb9: {  	s3 =	sand.u32 $0x4000, s31;
	s1 =	sadd.s32 s1, s30  }
0xba: {  	s0 =	sor.u32 s3, s0;
	s1 =	sshll.u32 s1, $0x11  }
0xbb: {  	s0 =	sor.u32 s1, s0  }
0xbc: {  	s0 =	sadd.s32 $0x8F2B, s0  }
0xbd: {  	[sflag:s0] =	ssyncadd.remote.s32 $0x1  }
0xbe: {  	_ =	sfence.sel $0xFFFF  }
0xbf: {  	[dreg:$0x0] =	wrdreg $0xFFFFFFFF;
	(pc) =	sbr.abs _section_cstart, $3  }
0xc0: {  	[dreg:$0x1] =	wrdreg $0xFFFFFFFF  }
0xc1: {  	_ =	task.clear_ibuf [dreg:s7], $0x2FFFF;
	_ =	strace $0x9FFFFFFF  }
0xc2: {  	(tm) =	ssettm $0x7FFFFFFF  }
0xc3: {  	_ =	shalt  }
tec
execute0_lowered:
.L_overlay_start_1:
0x0: {  	(tag) =	ssettag $0x1  }
0x1: {  	s4 =	rddreg [dreg:$0x0]  }
0x2: {  	s2 =	rddreg [dreg:$0x1]  }
0x3: {  	s0 =	rddreg [dreg:$0x2]  }
0x4: {  	s5 =	srdreg.scid;
	s3 =	simm.s32 $0x0;
	s1 =	stileid.u32  }
0x5: {  	s10 =	simm.s32 $0x8000;
	s11 =	simm.s32 $0x1;
	s5 =	sand.u32 $0x1, s5  }
0x6: {  	s12 =	simm.s32 $0x0;
	s6 =	sshll.u32 s1, $0x8;
	s7 =	sshll.u32 s5, $0x7  }
0x7: {  	[smem:$0x7FF] =	sst s3;
	s5 =	ssub.s32 $0x2, s5;
	s7 =	sor.u32 s7, s6  }
0x8: {  	v0 =	vimm.f32 $0.0e+00;
	_ =	strace $0x80000047;
	s9 =	sshrl.u32 s5, $0x1;
	s6 =	sshll.u32 s7, $0x5  }
0x9: {  	v1 =	vimm.f32 $1.000000000e+00;
	v2 =	vimm.s32 $0x80;
	v3 =	vimm.s32 $0x100;
	s8 =	sshll.u32 s7, $0xA;
	s31 =	ssub.s32 s5, s9;
	s7 =	sshrl.u32 s7, $0x3  }
0xa: {  	v4 =	vimm.s32 $0x180;
	v5 =	vimm.s32 $0x0;
	v6 =	vimm.s32 $0x200;
	s9 =	simm.s32 $0x2;
	s6 =	sadd.s32 s6, s4;
	s4 =	sadd.s32 s2, s8  }
0xb: {  	v7 =	vimm.s32 $0x280;
	v8 =	vimm.s32 $0x300;
	v9 =	vimm.s32 $0x380;
	s8 =	smax.u32 s31, $0x1;
	s5 =	sadd.s32 $0x400, s6;
	s6 =	sadd.s32 $0x40, s4  }
.LBB2_1:
0xc: {  	[tilespmem:s3], [sflag:$0x2] =	stream.linear.gather [hbm4b:s5+s3], $0x8000, $0x38;
	[tilespmem:$0x18000] =	vst v63  }
0xd: {  	s13 =	simm.s32 $0x8100  }
0xe: {  	[tilespmem:s13+$0xFFFFFF00] =	vst v0  }
0xf: {  	[tilespmem:s13+$0xF0] =	vst v0  }
0x10: {  	[tilespmem:s13+$0x70] =	vst v0  }
0x11: {  	[tilespmem:s13+$0xFFFFFFF0] =	vst v0  }
0x12: {  	[tilespmem:s13+$0xFFFFFF70] =	vst v0  }
0x13: {  	[tilespmem:s13+$0xE0] =	vst v0  }
0x14: {  	[tilespmem:s13+$0x60] =	vst v0  }
0x15: {  	[tilespmem:s13+$0xFFFFFFE0] =	vst v0  }
0x16: {  	[tilespmem:s13+$0xFFFFFF60] =	vst v0  }
0x17: {  	[tilespmem:s13+$0xD0] =	vst v0  }
0x18: {  	[tilespmem:s13+$0x50] =	vst v0  }
0x19: {  	[tilespmem:s13+$0xFFFFFFD0] =	vst v0  }
0x1a: {  	[tilespmem:s13+$0xFFFFFF50] =	vst v0  }
0x1b: {  	[tilespmem:s13+$0xC0] =	vst v0  }
0x1c: {  	[tilespmem:s13+$0x40] =	vst v0  }
0x1d: {  	[tilespmem:s13+$0xFFFFFFC0] =	vst v0  }
0x1e: {  	[tilespmem:s13+$0xFFFFFF40] =	vst v0  }
0x1f: {  	[tilespmem:s13+$0xB0] =	vst v0  }
0x20: {  	[tilespmem:s13+$0x30] =	vst v0  }
0x21: {  	[tilespmem:s13+$0xFFFFFFB0] =	vst v0  }
0x22: {  	[tilespmem:s13+$0xFFFFFF30] =	vst v0  }
0x23: {  	[tilespmem:s13+$0xA0] =	vst v0  }
0x24: {  	[tilespmem:s13+$0x20] =	vst v0  }
0x25: {  	[tilespmem:s13+$0xFFFFFFA0] =	vst v0  }
0x26: {  	[tilespmem:s13+$0xFFFFFF20] =	vst v0  }
0x27: {  	[tilespmem:s13+$0x90] =	vst v0  }
0x28: {  	[tilespmem:s13+$0x10] =	vst v0  }
0x29: {  	[tilespmem:s13+$0xFFFFFF90] =	vst v0  }
0x2a: {  	[tilespmem:s13+$0xFFFFFF10] =	vst v0  }
0x2b: {  	[tilespmem:s13+$0x80] =	vst v0  }
0x2c: {  	s14 =	simm.s32 $0x0;
	[tilespmem:s13+$0x0] =	vst v0  }
.LBB2_2:
0x2d: {  	s14 =	sadd.s32 $0x8, s14;
	[tilespmem:s13+$0xFFFFFF80] =	vst v0;
	s13 =	sadd.s32 $0x400, s13  }
0x2e: {  	[tilespmem:s13+$0xFFFFFF00] =	vst v0;
	p0 =	slt.u32 s14, $0x1F8  }
0x2f: {  	[tilespmem:s13+$0xF0] =	vst v0  }
0x30: {  	[tilespmem:s13+$0x70] =	vst v0  }
0x31: {  	[tilespmem:s13+$0xFFFFFFF0] =	vst v0  }
0x32: {  	[tilespmem:s13+$0xFFFFFF70] =	vst v0  }
0x33: {  	[tilespmem:s13+$0xE0] =	vst v0  }
0x34: {  	[tilespmem:s13+$0x60] =	vst v0  }
0x35: {  	[tilespmem:s13+$0xFFFFFFE0] =	vst v0  }
0x36: {  	[tilespmem:s13+$0xFFFFFF60] =	vst v0  }
0x37: {  	[tilespmem:s13+$0xD0] =	vst v0  }
0x38: {  	[tilespmem:s13+$0x50] =	vst v0  }
0x39: {  	[tilespmem:s13+$0xFFFFFFD0] =	vst v0  }
0x3a: {  	[tilespmem:s13+$0xFFFFFF50] =	vst v0  }
0x3b: {  	[tilespmem:s13+$0xC0] =	vst v0  }
0x3c: {  	[tilespmem:s13+$0x40] =	vst v0  }
0x3d: {  	[tilespmem:s13+$0xFFFFFFC0] =	vst v0  }
0x3e: {  	[tilespmem:s13+$0xFFFFFF40] =	vst v0  }
0x3f: {  	[tilespmem:s13+$0xB0] =	vst v0  }
0x40: {  	[tilespmem:s13+$0x30] =	vst v0  }
0x41: {  	[tilespmem:s13+$0xFFFFFFB0] =	vst v0  }
0x42: {  	[tilespmem:s13+$0xFFFFFF30] =	vst v0  }
0x43: {  	[tilespmem:s13+$0xA0] =	vst v0  }
0x44: {  	[tilespmem:s13+$0x20] =	vst v0  }
0x45: {  	[tilespmem:s13+$0xFFFFFFA0] =	vst v0  }
0x46: {  	[tilespmem:s13+$0xFFFFFF20] =	vst v0  }
0x47: {  	[tilespmem:s13+$0x90] =	vst v0  }
.Ltmp0:
0x48: {  	[tilespmem:s13+$0x10] =	vst v0;
	(pc) =	sbr.rel @p0 .LBB2_2-.Ltmp0, $4  }
0x49: {  	[tilespmem:s13+$0xFFFFFF90] =	vst v0  }
0x4a: {  	[tilespmem:s13+$0xFFFFFF10] =	vst v0  }
0x4b: {  	[tilespmem:s13+$0x80] =	vst v0  }
0x4c: {  	[tilespmem:s13+$0x0] =	vst v0  }
0x4d: {  	[tilespmem:s13+$0xFFFFFF80] =	vst v0  }
0x4e: {  	_ =	swait.ge [sflag:s9], $0x8000  }
0x4f: {  	[sflag:s9] =	ssyncset.done $0x0  }
0x50: {  	[sflag:s9] =	ssyncadd.s32 $0xFFFF8000  }
0x51: {  	v10 =	vld [tilespmem:$0x0]  }
0x52: {  	v11 =	vld [tilespmem:$0x10]  }
0x53: {  	v12 =	vld [tilespmem:$0x20]  }
0x54: {  	v13 =	vld [tilespmem:$0x30]  }
0x55: {  	v15 =	vld [tilespmem:$0x40]  }
0x56: {  	v18 =	vld [tilespmem:$0x50]  }
0x57: {  	v19 =	vld [tilespmem:$0x60]  }
0x58: {  	v20 =	vld [tilespmem:$0x400];
	v14 =	vshll.u32 v10, $0x3;
	v10 =	vand.u32 $0x7F, v10;
	v16 =	vand.u32 $0x7F, v11  }
0x59: {  	v11 =	vshll.u32 v11, $0x3;
	v17 =	vshll.u32 v12, $0x3;
	v12 =	vand.u32 $0x7F, v12  }
0x5a: {  	v34 =	vld [tilespmem:$0x410];
	v31 =	vand.u32 $0x7F, v13;
	v13 =	vshll.u32 v13, $0x3;
	v32 =	vshll.u32 v15, $0x3  }
0x5b: {  	v15 =	vand.u32 $0x7F, v15;
	v33 =	vshll.u32 v18, $0x3;
	v18 =	vand.u32 $0x7F, v18  }
0x5c: {  	v22 =	vld [tilespmem:$0x420];
	v21 =	vshll.u32 v19, $0x3;
	v35 =	vand.u32 $0x7F, v19;
	v14 =	vand.u32 $0xFFFFFC00, v14  }
0x5d: {  	v30 =	vld [tilespmem:$0x70];
	v37 =	vshll.u32 v20, $0x3;
	v11 =	vand.u32 $0xFFFFFC00, v11;
	v10 =	vor.u32 v10, v14  }
0x5e: {  	v38 =	vand.u32 $0x7F, v20;
	v17 =	vand.u32 $0xFFFFFC00, v17;
	v11 =	vor.u32 v16, v11  }
0x5f: {  	v41 =	vand.u32 $0x7F, v34;
	v13 =	vand.u32 $0xFFFFFC00, v13;
	v12 =	vor.u32 v12, v17  }
0x60: {  	v23 =	vld [tilespmem:$0x430];
	v42 =	vshll.u32 v34, $0x3;
	v17 =	vand.u32 $0xFFFFFC00, v32;
	v13 =	vor.u32 v31, v13  }
0x61: {  	s13 =	simm.s32 $0x8000;
	v43 =	vshll.u32 v22, $0x3;
	v16 =	vand.u32 $0xFFFFFC00, v33;
	v15 =	vor.u32 v15, v17  }
0x62: {  	v40 =	vld [tilespmem:$0x438];
	v36 =	vand.u32 $0xFFFFFC00, v21;
	v14 =	vshll.u32 v30, $0x3;
	v16 =	vor.u32 v18, v16;
	[tilespmem:v10+s13+$0x0] =	vst.idx.msk $0xffff, v1  }
0x63: {  	v18 =	vor.u32 v35, v36;
	v10 =	vand.u32 $0x7F, v30;
	[tilespmem:v11+s13+$0x0] =	vst.idx.msk $0xffff, v1;
	v11 =	vand.u32 $0xFFFFFC00, v14  }
0x64: {  	v45 =	vand.u32 $0x7F, v22;
	v17 =	vand.u32 $0xFFFFFC00, v43;
	[tilespmem:v12+s13+$0x0] =	vst.idx.msk $0xffff, v1;
	v10 =	vor.u32 v10, v11  }
0x65: {  	v47 =	vshll.u32 v23, $0x3;
	v44 =	vand.u32 $0xFFFFFC00, v42;
	v46 =	vor.u32 v45, v17;
	[tilespmem:v13+s13+$0x0] =	vst.idx.msk $0xffff, v1  }
0x66: {  	v48 =	vand.u32 $0x7F, v23;
	v39 =	vand.u32 $0xFFFFFC00, v37;
	v12 =	vor.u32 v41, v44;
	[tilespmem:v15+s13+$0x0] =	vst.idx.msk $0xffff, v1  }
0x67: {  	v49 =	vshll.u32 v40, $0x3;
	v14 =	vand.u32 $0xFFFFFC00, v47;
	v11 =	vor.u32 v38, v39;
	[tilespmem:v16+s13+$0x0] =	vst.idx.msk $0xffff, v1  }
0x68: {  	v50 =	vand.u32 $0x7F, v40;
	[tilespmem:v18+s13+$0x0] =	vst.idx.msk $0xffff, v1;
	v14 =	vor.u32 v48, v14;
	v16 =	vand.u32 $0xFFFFFC00, v49  }
0x69: {  	[tilespmem:v10+s13+$0x0] =	vst.idx.msk $0xffff, v1;
	v10 =	vor.u32 v50, v16  }
0x6a: {  	[tilespmem:v46+s13+$0x0] =	vst.idx.msk $0xffff, v1  }
0x6b: {  	[tilespmem:v12+s13+$0x0] =	vst.idx.msk $0xffff, v1  }
0x6c: {  	[tilespmem:v11+s13+$0x0] =	vst.idx.msk $0xffff, v1  }
0x6d: {  	[tilespmem:v14+s13+$0x0] =	vst.idx.msk $0xffff, v1  }
0x6e: {  	[tilespmem:v10+s13+$0x0] =	vst.idx.msk $0xffff, v1  }
0x6f: {  	v10 =	vld [tilespmem:$0x80]  }
0x70: {  	v11 =	vld [tilespmem:$0x90]  }
0x71: {  	v12 =	vld [tilespmem:$0xA0]  }
0x72: {  	v14 =	vld [tilespmem:$0xB0]  }
0x73: {  	v52 =	vld [tilespmem:$0xC0]  }
0x74: {  	v56 =	vld [tilespmem:$0xD0]  }
0x75: {  	v57 =	vld [tilespmem:$0xE0]  }
0x76: {  	v60 =	vld [tilespmem:$0xF0]  }
0x77: {  	v61 =	vld [tilespmem:$0x480]  }
0x78: {  	v24 =	vld [tilespmem:$0x490]  }
0x79: {  	v26 =	vld [tilespmem:$0x4A0];
	v51 =	vshll.u32 v10, $0x3;
	v10 =	vand.u32 $0x7F, v10  }
0x7a: {  	v30 =	vld [tilespmem:$0x4B0];
	v53 =	vshll.u32 v11, $0x3;
	v11 =	vand.u32 $0x7F, v11;
	v54 =	vshll.u32 v12, $0x3  }
0x7b: {  	v31 =	vld [tilespmem:$0x4B8];
	v12 =	vand.u32 $0x7F, v12;
	v58 =	vand.u32 $0x7F, v14;
	v14 =	vshll.u32 v14, $0x3  }
0x7c: {  	v59 =	vshll.u32 v52, $0x3;
	v15 =	vand.u32 $0x7F, v52;
	v62 =	vshll.u32 v56, $0x3  }
0x7d: {  	v16 =	vand.u32 $0x7F, v56;
	v63 =	vshll.u32 v57, $0x3;
	v27 =	vshll.u32 v60, $0x3  }
0x7e: {  	v19 =	vand.u32 $0x7F, v60;
	v28 =	vshll.u32 v61, $0x3;
	v17 =	vand.u32 $0x7F, v61  }
0x7f: {  	v21 =	vshll.u32 v24, $0x3;
	v32 =	vshll.u32 v26, $0x3;
	v20 =	vand.u32 $0x7F, v26  }
0x80: {  	v35 =	vshll.u32 v30, $0x3;
	v36 =	vand.u32 $0x7F, v30;
	v37 =	vshll.u32 v31, $0x3  }
0x81: {  	v38 =	vand.u32 $0x7F, v31;
	v13 =	vand.u32 $0xFFFFFC00, v51;
	v55 =	vand.u32 $0xFFFFFC00, v54  }
0x82: {  	v14 =	vand.u32 $0xFFFFFC00, v14;
	v18 =	vand.u32 $0xFFFFFC00, v59;
	v10 =	vor.u32 v13, v10  }
0x83: {  	v25 =	vand.u32 $0xFFFFFC00, v63;
	v12 =	vor.u32 v55, v12;
	v10 =	vor.u32 $0x80, v10  }
0x84: {  	v29 =	vand.u32 $0xFFFFFC00, v28;
	v14 =	vor.u32 v14, v58;
	v12 =	vor.u32 $0x80, v12  }
0x85: {  	v13 =	vand.u32 $0xFFFFFC00, v53;
	v15 =	vor.u32 v18, v15;
	v14 =	vor.u32 $0x80, v14  }
0x86: {  	v39 =	vand.u32 $0xFFFFFC00, v37;
	v11 =	vor.u32 v13, v11;
	v15 =	vor.u32 $0x80, v15  }
0x87: {  	v18 =	vand.u32 $0xFFFFFC00, v62;
	v17 =	vor.u32 v29, v17;
	v11 =	vor.u32 $0x80, v11  }
0x88: {  	v16 =	vor.u32 v18, v16;
	v13 =	vand.u32 $0x7F, v57;
	v34 =	vor.u32 $0x80, v17;
	[tilespmem:v10+s13+$0x0] =	vst.idx.msk $0xffff, v1  }
0x89: {  	v18 =	vand.u32 $0xFFFFFC00, v27;
	v16 =	vor.u32 $0x80, v16;
	v13 =	vor.u32 v25, v13;
	[tilespmem:v12+s13+$0x0] =	vst.idx.msk $0xffff, v1  }
0x8a: {  	v18 =	vor.u32 v18, v19;
	v13 =	vor.u32 $0x80, v13;
	[tilespmem:v14+s13+$0x0] =	vst.idx.msk $0xffff, v1;
	v14 =	vand.u32 $0xFFFFFC00, v35  }
0x8b: {  	v41 =	vor.u32 v39, v38;
	v18 =	vor.u32 $0x80, v18;
	[tilespmem:v15+s13+$0x0] =	vst.idx.msk $0xffff, v1;
	v14 =	vor.u32 v14, v36  }
0x8c: {  	v10 =	vand.u32 $0x7F, v24;
	[tilespmem:v11+s13+$0x0] =	vst.idx.msk $0xffff, v1;
	v11 =	vand.u32 $0xFFFFFC00, v21;
	v40 =	vor.u32 $0x80, v14  }
0x8d: {  	v33 =	vand.u32 $0xFFFFFC00, v32;
	[tilespmem:v34+s13+$0x0] =	vst.idx.msk $0xffff, v1;
	v10 =	vor.u32 v11, v10;
	v14 =	vor.u32 $0x80, v41  }
0x8e: {  	[tilespmem:v16+s13+$0x0] =	vst.idx.msk $0xffff, v1;
	v11 =	vor.u32 v33, v20;
	v10 =	vor.u32 $0x80, v10  }
0x8f: {  	[tilespmem:v13+s13+$0x0] =	vst.idx.msk $0xffff, v1;
	v11 =	vor.u32 $0x80, v11  }
0x90: {  	[tilespmem:v18+s13+$0x0] =	vst.idx.msk $0xffff, v1  }
0x91: {  	[tilespmem:v40+s13+$0x0] =	vst.idx.msk $0xffff, v1  }
0x92: {  	[tilespmem:v14+s13+$0x0] =	vst.idx.msk $0xffff, v1  }
0x93: {  	[tilespmem:v10+s13+$0x0] =	vst.idx.msk $0xffff, v1  }
0x94: {  	[tilespmem:v11+s13+$0x0] =	vst.idx.msk $0xffff, v1  }
0x95: {  	v10 =	vld [tilespmem:$0x100]  }
0x96: {  	v11 =	vld [tilespmem:$0x110]  }
0x97: {  	v12 =	vld [tilespmem:$0x120]  }
0x98: {  	v14 =	vld [tilespmem:$0x130]  }
0x99: {  	v43 =	vld [tilespmem:$0x140]  }
0x9a: {  	v47 =	vld [tilespmem:$0x150]  }
0x9b: {  	v48 =	vld [tilespmem:$0x160]  }
0x9c: {  	v51 =	vld [tilespmem:$0x170]  }
0x9d: {  	v52 =	vld [tilespmem:$0x500]  }
0x9e: {  	v55 =	vld [tilespmem:$0x510]  }
0x9f: {  	v57 =	vld [tilespmem:$0x520];
	v42 =	vshll.u32 v10, $0x3;
	v10 =	vand.u32 $0x7F, v10  }
0xa0: {  	v61 =	vld [tilespmem:$0x530];
	v44 =	vshll.u32 v11, $0x3;
	v11 =	vand.u32 $0x7F, v11;
	v45 =	vshll.u32 v12, $0x3  }
0xa1: {  	v62 =	vld [tilespmem:$0x538];
	v12 =	vand.u32 $0x7F, v12;
	v49 =	vand.u32 $0x7F, v14;
	v14 =	vshll.u32 v14, $0x3  }
0xa2: {  	v50 =	vshll.u32 v43, $0x3;
	v15 =	vand.u32 $0x7F, v43;
	v53 =	vshll.u32 v47, $0x3  }
0xa3: {  	v16 =	vand.u32 $0x7F, v47;
	v54 =	vshll.u32 v48, $0x3;
	v58 =	vshll.u32 v51, $0x3  }
0xa4: {  	v19 =	vand.u32 $0x7F, v51;
	v59 =	vshll.u32 v52, $0x3;
	v17 =	vand.u32 $0x7F, v52  }
0xa5: {  	v21 =	vshll.u32 v55, $0x3;
	v63 =	vshll.u32 v57, $0x3;
	v20 =	vand.u32 $0x7F, v57  }
0xa6: {  	v26 =	vshll.u32 v61, $0x3;
	v27 =	vand.u32 $0x7F, v61;
	v28 =	vshll.u32 v62, $0x3  }
0xa7: {  	v29 =	vand.u32 $0x7F, v62;
	v13 =	vand.u32 $0xFFFFFC00, v42;
	v46 =	vand.u32 $0xFFFFFC00, v45  }
0xa8: {  	v14 =	vand.u32 $0xFFFFFC00, v14;
	v18 =	vand.u32 $0xFFFFFC00, v50;
	v10 =	vor.u32 v13, v10  }
0xa9: {  	v56 =	vand.u32 $0xFFFFFC00, v54;
	v12 =	vor.u32 v46, v12;
	v10 =	vor.u32 $0x100, v10  }
0xaa: {  	v60 =	vand.u32 $0xFFFFFC00, v59;
	v14 =	vor.u32 v14, v49;
	v12 =	vor.u32 $0x100, v12  }
0xab: {  	v13 =	vand.u32 $0xFFFFFC00, v44;
	v15 =	vor.u32 v18, v15;
	v14 =	vor.u32 $0x100, v14  }
0xac: {  	v30 =	vand.u32 $0xFFFFFC00, v28;
	v11 =	vor.u32 v13, v11;
	v15 =	vor.u32 $0x100, v15  }
0xad: {  	v18 =	vand.u32 $0xFFFFFC00, v53;
	v17 =	vor.u32 v60, v17;
	v11 =	vor.u32 $0x100, v11  }
0xae: {  	v16 =	vor.u32 v18, v16;
	v13 =	vand.u32 $0x7F, v48;
	v25 =	vor.u32 $0x100, v17;
	[tilespmem:v10+s13+$0x0] =	vst.idx.msk $0xffff, v1  }
0xaf: {  	v18 =	vand.u32 $0xFFFFFC00, v58;
	v16 =	vor.u32 $0x100, v16;
	v13 =	vor.u32 v56, v13;
	[tilespmem:v12+s13+$0x0] =	vst.idx.msk $0xffff, v1  }
0xb0: {  	v18 =	vor.u32 v18, v19;
	v13 =	vor.u32 $0x100, v13;
	[tilespmem:v14+s13+$0x0] =	vst.idx.msk $0xffff, v1;
	v14 =	vand.u32 $0xFFFFFC00, v26  }
0xb1: {  	v32 =	vor.u32 v30, v29;
	v18 =	vor.u32 $0x100, v18;
	[tilespmem:v15+s13+$0x0] =	vst.idx.msk $0xffff, v1;
	v14 =	vor.u32 v14, v27  }
0xb2: {  	v10 =	vand.u32 $0x7F, v55;
	[tilespmem:v11+s13+$0x0] =	vst.idx.msk $0xffff, v1;
	v11 =	vand.u32 $0xFFFFFC00, v21;
	v31 =	vor.u32 $0x100, v14  }
0xb3: {  	v24 =	vand.u32 $0xFFFFFC00, v63;
	[tilespmem:v25+s13+$0x0] =	vst.idx.msk $0xffff, v1;
	v10 =	vor.u32 v11, v10;
	v14 =	vor.u32 $0x100, v32  }
0xb4: {  	[tilespmem:v16+s13+$0x0] =	vst.idx.msk $0xffff, v1;
	v11 =	vor.u32 v24, v20;
	v10 =	vor.u32 $0x100, v10  }
0xb5: {  	[tilespmem:v13+s13+$0x0] =	vst.idx.msk $0xffff, v1;
	v11 =	vor.u32 $0x100, v11  }
0xb6: {  	[tilespmem:v18+s13+$0x0] =	vst.idx.msk $0xffff, v1  }
0xb7: {  	[tilespmem:v31+s13+$0x0] =	vst.idx.msk $0xffff, v1  }
0xb8: {  	[tilespmem:v14+s13+$0x0] =	vst.idx.msk $0xffff, v1  }
0xb9: {  	[tilespmem:v10+s13+$0x0] =	vst.idx.msk $0xffff, v1  }
0xba: {  	[tilespmem:v11+s13+$0x0] =	vst.idx.msk $0xffff, v1  }
0xbb: {  	v10 =	vld [tilespmem:$0x180]  }
0xbc: {  	v11 =	vld [tilespmem:$0x190]  }
0xbd: {  	v12 =	vld [tilespmem:$0x1A0]  }
0xbe: {  	v13 =	vld [tilespmem:$0x1B0]  }
0xbf: {  	v35 =	vld [tilespmem:$0x1C0]  }
0xc0: {  	v36 =	vld [tilespmem:$0x1D0]  }
0xc1: {  	v18 =	vld [tilespmem:$0x1E0]  }
0xc2: {  	v40 =	vld [tilespmem:$0x1F0]  }
0xc3: {  	v43 =	vld [tilespmem:$0x580]  }
0xc4: {  	v45 =	vld [tilespmem:$0x590];
	v33 =	vand.u32 $0x7F, v10;
	v10 =	vshll.u32 v10, $0x3  }
0xc5: {  	v48 =	vld [tilespmem:$0x5A0];
	v34 =	vshll.u32 v11, $0x3;
	v11 =	vand.u32 $0x7F, v11;
	v37 =	vshll.u32 v12, $0x3  }
0xc6: {  	v50 =	vld [tilespmem:$0x5B0];
	v12 =	vand.u32 $0x7F, v12;
	v38 =	vshll.u32 v13, $0x3;
	v13 =	vand.u32 $0x7F, v13  }
0xc7: {  	v41 =	vshll.u32 v35, $0x3;
	v16 =	vand.u32 $0x7F, v35;
	v42 =	vshll.u32 v36, $0x3  }
0xc8: {  	v14 =	vand.u32 $0x7F, v36;
	v46 =	vand.u32 $0x7F, v18;
	v18 =	vshll.u32 v18, $0x3  }
0xc9: {  	v47 =	vshll.u32 v40, $0x3;
	v17 =	vand.u32 $0x7F, v40;
	v49 =	vshll.u32 v43, $0x3  }
0xca: {  	v20 =	vand.u32 $0x7F, v43;
	v51 =	vshll.u32 v45, $0x3;
	v19 =	vand.u32 $0x7F, v45  }
0xcb: {  	v55 =	vshll.u32 v48, $0x3;
	v56 =	vand.u32 $0x7F, v48;
	v58 =	vshll.u32 v50, $0x3  }
0xcc: {  	v60 =	vand.u32 $0x7F, v50;
	v10 =	vand.u32 $0xFFFFFC00, v10;
	v15 =	vand.u32 $0xFFFFFC00, v34  }
0xcd: {  	v39 =	vand.u32 $0xFFFFFC00, v38;
	v21 =	vand.u32 $0xFFFFFC00, v47;
	v10 =	vor.u32 v10, v33  }
0xce: {  	v53 =	vld [tilespmem:$0x5B8];
	v11 =	vor.u32 v15, v11;
	v15 =	vand.u32 $0xFFFFFC00, v37;
	v10 =	vor.u32 $0x180, v10  }
0xcf: {  	v13 =	vor.u32 v39, v13;
	v17 =	vor.u32 v21, v17;
	v11 =	vor.u32 $0x180, v11  }
0xd0: {  	v12 =	vor.u32 v15, v12;
	v15 =	vand.u32 $0xFFFFFC00, v41;
	v13 =	vor.u32 $0x180, v13  }
0xd1: {  	v44 =	vand.u32 $0xFFFFFC00, v42;
	v57 =	vor.u32 $0x180, v17;
	v15 =	vor.u32 v15, v16  }
0xd2: {  	v18 =	vand.u32 $0xFFFFFC00, v18;
	v14 =	vor.u32 v44, v14;
	v15 =	vor.u32 $0x180, v15  }
0xd3: {  	v62 =	vshll.u32 v53, $0x3;
	v16 =	vor.u32 v18, v46;
	[tilespmem:v10+s13+$0x0] =	vst.idx.msk $0xffff, v1;
	v10 =	vor.u32 $0x180, v14  }
0xd4: {  	v63 =	vand.u32 $0x7F, v53;
	v18 =	vand.u32 $0xFFFFFC00, v49;
	[tilespmem:v11+s13+$0x0] =	vst.idx.msk $0xffff, v1;
	v11 =	vor.u32 $0x180, v16  }
0xd5: {  	v52 =	vand.u32 $0xFFFFFC00, v51;
	v12 =	vor.u32 $0x180, v12;
	v18 =	vor.u32 v18, v20;
	[tilespmem:v13+s13+$0x0] =	vst.idx.msk $0xffff, v1  }
0xd6: {  	v54 =	vor.u32 v52, v19;
	v17 =	vand.u32 $0xFFFFFC00, v58;
	v59 =	vor.u32 $0x180, v18;
	[tilespmem:v57+s13+$0x0] =	vst.idx.msk $0xffff, v1  }
0xd7: {  	v19 =	vand.u32 $0xFFFFFC00, v55;
	v61 =	vor.u32 v17, v60;
	v14 =	vor.u32 $0x180, v54;
	[tilespmem:v15+s13+$0x0] =	vst.idx.msk $0xffff, v1  }
0xd8: {  	v17 =	vand.u32 $0xFFFFFC00, v62;
	v16 =	vor.u32 v19, v56;
	v15 =	vor.u32 $0x180, v61;
	[tilespmem:v10+s13+$0x0] =	vst.idx.msk $0xffff, v1  }
0xd9: {  	v10 =	vor.u32 $0x180, v16;
	[tilespmem:v11+s13+$0x0] =	vst.idx.msk $0xffff, v1;
	v11 =	vor.u32 v17, v63  }
0xda: {  	[tilespmem:v12+s13+$0x0] =	vst.idx.msk $0xffff, v1;
	v11 =	vor.u32 $0x180, v11  }
0xdb: {  	[tilespmem:v59+s13+$0x0] =	vst.idx.msk $0xffff, v1  }
0xdc: {  	[tilespmem:v14+s13+$0x0] =	vst.idx.msk $0xffff, v1  }
0xdd: {  	[tilespmem:v15+s13+$0x0] =	vst.idx.msk $0xffff, v1  }
0xde: {  	[tilespmem:v10+s13+$0x0] =	vst.idx.msk $0xffff, v1  }
0xdf: {  	[tilespmem:v11+s13+$0x0] =	vst.idx.msk $0xffff, v1  }
0xe0: {  	[tilespmem:v5+s13+$0x0] =	vst.idx.msk $0x1, v0  }
0xe1: {  	[tilespmem:v2+s13+$0x0] =	vst.idx.msk $0x1, v0  }
0xe2: {  	[tilespmem:v3+s13+$0x0] =	vst.idx.msk $0x1, v0  }
0xe3: {  	s14 =	simm.s32 $0x0;
	[tilespmem:v4+s13+$0x0] =	vst.idx.msk $0x1, v0  }
.LBB2_4:
0xe4: {  	p0 =	sne.s32 s14, $0x1F80  }
.Ltmp1:
0xe5: {  	_ = 	snop;
	(pc) =	sbr.rel @p0 .LBB2_4-.Ltmp1, $4  }
0xe6: {  	_ = 	snop  }
0xe7: {  	s15 =	sadd.s32 s14, s4  }
0xe8: {  	[hbm4b:s15+s3] =	stream.linear.scatter [tilespmem:s13], [sflag:$0x1], $0x200, $0x38;
	[tilespmem:$0x18000] =	vst v63  }
0xe9: {  	s14 =	sadd.s32 $0x80, s14;
	s13 =	sadd.s32 $0x400, s13  }
0xea: {  	s13 =	simm.s32 $0x83F0  }
0xeb: {  	[tilespmem:s13+$0xFFFFFE10] =	vst v0  }
0xec: {  	[tilespmem:s13+$0x0] =	vst v0  }
0xed: {  	[tilespmem:s13+$0xFFFFFF80] =	vst v0  }
0xee: {  	[tilespmem:s13+$0xFFFFFF00] =	vst v0  }
0xef: {  	[tilespmem:s13+$0xFFFFFE80] =	vst v0  }
0xf0: {  	[tilespmem:s13+$0xFFFFFFF0] =	vst v0  }
0xf1: {  	[tilespmem:s13+$0xFFFFFF70] =	vst v0  }
0xf2: {  	[tilespmem:s13+$0xFFFFFEF0] =	vst v0  }
0xf3: {  	[tilespmem:s13+$0xFFFFFE70] =	vst v0  }
0xf4: {  	[tilespmem:s13+$0xFFFFFFE0] =	vst v0  }
0xf5: {  	[tilespmem:s13+$0xFFFFFF60] =	vst v0  }
0xf6: {  	[tilespmem:s13+$0xFFFFFEE0] =	vst v0  }
0xf7: {  	[tilespmem:s13+$0xFFFFFE60] =	vst v0  }
0xf8: {  	[tilespmem:s13+$0xFFFFFFD0] =	vst v0  }
0xf9: {  	[tilespmem:s13+$0xFFFFFF50] =	vst v0  }
0xfa: {  	[tilespmem:s13+$0xFFFFFED0] =	vst v0  }
0xfb: {  	[tilespmem:s13+$0xFFFFFE50] =	vst v0  }
0xfc: {  	[tilespmem:s13+$0xFFFFFFC0] =	vst v0  }
0xfd: {  	[tilespmem:s13+$0xFFFFFF40] =	vst v0  }
0xfe: {  	[tilespmem:s13+$0xFFFFFEC0] =	vst v0  }
0xff: {  	[tilespmem:s13+$0xFFFFFE40] =	vst v0  }
0x100: {  	[tilespmem:s13+$0xFFFFFFB0] =	vst v0  }
0x101: {  	[tilespmem:s13+$0xFFFFFF30] =	vst v0  }
0x102: {  	[tilespmem:s13+$0xFFFFFEB0] =	vst v0  }
0x103: {  	[tilespmem:s13+$0xFFFFFE30] =	vst v0  }
0x104: {  	[tilespmem:s13+$0xFFFFFFA0] =	vst v0  }
0x105: {  	[tilespmem:s13+$0xFFFFFF20] =	vst v0  }
0x106: {  	[tilespmem:s13+$0xFFFFFEA0] =	vst v0  }
0x107: {  	[tilespmem:s13+$0xFFFFFE20] =	vst v0  }
0x108: {  	[tilespmem:s13+$0xFFFFFF90] =	vst v0  }
0x109: {  	s14 =	simm.s32 $0x0;
	[tilespmem:s13+$0xFFFFFF10] =	vst v0  }
.LBB2_6:
0x10a: {  	s14 =	sadd.s32 $0x8, s14;
	[tilespmem:s13+$0xFFFFFE90] =	vst v0;
	s13 =	sadd.s32 $0x400, s13  }
0x10b: {  	[tilespmem:s13+$0xFFFFFE10] =	vst v0;
	p0 =	slt.u32 s14, $0x1F8  }
0x10c: {  	[tilespmem:s13+$0x0] =	vst v0  }
0x10d: {  	[tilespmem:s13+$0xFFFFFF80] =	vst v0  }
0x10e: {  	[tilespmem:s13+$0xFFFFFF00] =	vst v0  }
0x10f: {  	[tilespmem:s13+$0xFFFFFE80] =	vst v0  }
0x110: {  	[tilespmem:s13+$0xFFFFFFF0] =	vst v0  }
0x111: {  	[tilespmem:s13+$0xFFFFFF70] =	vst v0  }
0x112: {  	[tilespmem:s13+$0xFFFFFEF0] =	vst v0  }
0x113: {  	[tilespmem:s13+$0xFFFFFE70] =	vst v0  }
0x114: {  	[tilespmem:s13+$0xFFFFFFE0] =	vst v0  }
0x115: {  	[tilespmem:s13+$0xFFFFFF60] =	vst v0  }
0x116: {  	[tilespmem:s13+$0xFFFFFEE0] =	vst v0  }
0x117: {  	[tilespmem:s13+$0xFFFFFE60] =	vst v0  }
0x118: {  	[tilespmem:s13+$0xFFFFFFD0] =	vst v0  }
0x119: {  	[tilespmem:s13+$0xFFFFFF50] =	vst v0  }
0x11a: {  	[tilespmem:s13+$0xFFFFFED0] =	vst v0  }
0x11b: {  	[tilespmem:s13+$0xFFFFFE50] =	vst v0  }
0x11c: {  	[tilespmem:s13+$0xFFFFFFC0] =	vst v0  }
0x11d: {  	[tilespmem:s13+$0xFFFFFF40] =	vst v0  }
0x11e: {  	[tilespmem:s13+$0xFFFFFEC0] =	vst v0  }
0x11f: {  	[tilespmem:s13+$0xFFFFFE40] =	vst v0  }
0x120: {  	[tilespmem:s13+$0xFFFFFFB0] =	vst v0  }
0x121: {  	[tilespmem:s13+$0xFFFFFF30] =	vst v0  }
0x122: {  	[tilespmem:s13+$0xFFFFFEB0] =	vst v0  }
0x123: {  	[tilespmem:s13+$0xFFFFFE30] =	vst v0  }
0x124: {  	[tilespmem:s13+$0xFFFFFFA0] =	vst v0  }
.Ltmp2:
0x125: {  	[tilespmem:s13+$0xFFFFFF20] =	vst v0;
	(pc) =	sbr.rel @p0 .LBB2_6-.Ltmp2, $4  }
0x126: {  	[tilespmem:s13+$0xFFFFFEA0] =	vst v0  }
0x127: {  	[tilespmem:s13+$0xFFFFFE20] =	vst v0  }
0x128: {  	[tilespmem:s13+$0xFFFFFF90] =	vst v0  }
0x129: {  	[tilespmem:s13+$0xFFFFFF10] =	vst v0  }
0x12a: {  	[tilespmem:s13+$0xFFFFFE90] =	vst v0  }
0x12b: {  	v10 =	vld [tilespmem:$0x200]  }
0x12c: {  	v11 =	vld [tilespmem:$0x210]  }
0x12d: {  	v12 =	vld [tilespmem:$0x220]  }
0x12e: {  	v14 =	vld [tilespmem:$0x230]  }
0x12f: {  	v15 =	vld [tilespmem:$0x240]  }
0x130: {  	v32 =	vld [tilespmem:$0x250]  }
0x131: {  	v33 =	vld [tilespmem:$0x260]  }
0x132: {  	v19 =	vld [tilespmem:$0x270]  }
0x133: {  	v34 =	vld [tilespmem:$0x600]  }
0x134: {  	v37 =	vld [tilespmem:$0x620]  }
0x135: {  	v40 =	vld [tilespmem:$0x630];
	v13 =	vshll.u32 v10, $0x3;
	v10 =	vand.u32 $0x7F, v10  }
0x136: {  	v41 =	vld [tilespmem:$0x638];
	v30 =	vshll.u32 v11, $0x3;
	v11 =	vand.u32 $0x7F, v11;
	v16 =	vshll.u32 v12, $0x3  }
0x137: {  	v12 =	vand.u32 $0x7F, v12;
	v17 =	vand.u32 $0x7F, v14;
	v14 =	vshll.u32 v14, $0x3  }
0x138: {  	v18 =	vshll.u32 v15, $0x3;
	v15 =	vand.u32 $0x7F, v15;
	v35 =	vshll.u32 v32, $0x3  }
0x139: {  	v20 =	vshll.u32 v33, $0x3;
	v38 =	vshll.u32 v19, $0x3;
	v19 =	vand.u32 $0x7F, v19  }
0x13a: {  	v22 =	vshll.u32 v34, $0x3;
	v23 =	vshll.u32 v37, $0x3;
	v44 =	vshll.u32 v40, $0x3  }
0x13b: {  	v45 =	vand.u32 $0x7F, v40;
	v46 =	vshll.u32 v41, $0x3;
	v47 =	vand.u32 $0x7F, v41  }
0x13c: {  	v13 =	vand.u32 $0xFFFFFC00, v13;
	v31 =	vand.u32 $0xFFFFFC00, v16;
	v14 =	vand.u32 $0xFFFFFC00, v14  }
0x13d: {  	v18 =	vand.u32 $0xFFFFFC00, v18;
	v16 =	vand.u32 $0x7F, v32;
	v36 =	vand.u32 $0xFFFFFC00, v20  }
0x13e: {  	v39 =	vand.u32 $0xFFFFFC00, v22;
	v20 =	vand.u32 $0x7F, v37;
	v10 =	vor.u32 v13, v10  }
0x13f: {  	v48 =	vand.u32 $0xFFFFFC00, v46;
	v12 =	vor.u32 v31, v12;
	v10 =	vor.u32 $0x200, v10  }
0x140: {  	v13 =	vand.u32 $0xFFFFFC00, v30;
	v14 =	vor.u32 v14, v17;
	v12 =	vor.u32 $0x200, v12  }
0x141: {  	v15 =	vor.u32 v18, v15;
	v18 =	vand.u32 $0xFFFFFC00, v35;
	v14 =	vor.u32 $0x200, v14  }
0x142: {  	v21 =	vld [tilespmem:$0x610];
	v17 =	vand.u32 $0x7F, v34;
	v11 =	vor.u32 v13, v11;
	v15 =	vor.u32 $0x200, v15  }
0x143: {  	v16 =	vor.u32 v18, v16;
	v13 =	vand.u32 $0x7F, v33;
	v11 =	vor.u32 $0x200, v11  }
0x144: {  	v18 =	vand.u32 $0xFFFFFC00, v38;
	v17 =	vor.u32 v39, v17;
	v16 =	vor.u32 $0x200, v16;
	[tilespmem:v10+s10+$0x0] =	vst.idx.msk $0xffff, v1  }
0x145: {  	v13 =	vor.u32 v36, v13;
	v18 =	vor.u32 v18, v19;
	v43 =	vor.u32 $0x200, v17;
	[tilespmem:v12+s10+$0x0] =	vst.idx.msk $0xffff, v1  }
0x146: {  	v13 =	vor.u32 $0x200, v13;
	v18 =	vor.u32 $0x200, v18;
	[tilespmem:v14+s10+$0x0] =	vst.idx.msk $0xffff, v1;
	v14 =	vand.u32 $0xFFFFFC00, v44  }
0x147: {  	v10 =	vand.u32 $0x7F, v21;
	v21 =	vshll.u32 v21, $0x3;
	[tilespmem:v15+s10+$0x0] =	vst.idx.msk $0xffff, v1;
	v14 =	vor.u32 v14, v45  }
0x148: {  	v50 =	vor.u32 v48, v47;
	[tilespmem:v11+s10+$0x0] =	vst.idx.msk $0xffff, v1;
	v11 =	vand.u32 $0xFFFFFC00, v21;
	v49 =	vor.u32 $0x200, v14  }
0x149: {  	v42 =	vand.u32 $0xFFFFFC00, v23;
	[tilespmem:v16+s10+$0x0] =	vst.idx.msk $0xffff, v1;
	v10 =	vor.u32 v11, v10;
	v14 =	vor.u32 $0x200, v50  }
0x14a: {  	[tilespmem:v43+s10+$0x0] =	vst.idx.msk $0xffff, v1;
	v11 =	vor.u32 v42, v20;
	v10 =	vor.u32 $0x200, v10  }
0x14b: {  	[tilespmem:v13+s10+$0x0] =	vst.idx.msk $0xffff, v1;
	v11 =	vor.u32 $0x200, v11  }
0x14c: {  	[tilespmem:v18+s10+$0x0] =	vst.idx.msk $0xffff, v1  }
0x14d: {  	[tilespmem:v49+s10+$0x0] =	vst.idx.msk $0xffff, v1  }
0x14e: {  	[tilespmem:v14+s10+$0x0] =	vst.idx.msk $0xffff, v1  }
0x14f: {  	[tilespmem:v10+s10+$0x0] =	vst.idx.msk $0xffff, v1  }
0x150: {  	[tilespmem:v11+s10+$0x0] =	vst.idx.msk $0xffff, v1  }
0x151: {  	v10 =	vld [tilespmem:$0x280]  }
0x152: {  	v11 =	vld [tilespmem:$0x290]  }
0x153: {  	v12 =	vld [tilespmem:$0x2A0]  }
0x154: {  	v14 =	vld [tilespmem:$0x2B0]  }
0x155: {  	v52 =	vld [tilespmem:$0x2C0]  }
0x156: {  	v56 =	vld [tilespmem:$0x2D0]  }
0x157: {  	v57 =	vld [tilespmem:$0x2E0]  }
0x158: {  	v60 =	vld [tilespmem:$0x2F0]  }
0x159: {  	v61 =	vld [tilespmem:$0x680]  }
0x15a: {  	v24 =	vld [tilespmem:$0x690]  }
0x15b: {  	v26 =	vld [tilespmem:$0x6A0];
	v51 =	vshll.u32 v10, $0x3;
	v10 =	vand.u32 $0x7F, v10  }
0x15c: {  	v30 =	vld [tilespmem:$0x6B0];
	v53 =	vshll.u32 v11, $0x3;
	v11 =	vand.u32 $0x7F, v11;
	v54 =	vshll.u32 v12, $0x3  }
0x15d: {  	v31 =	vld [tilespmem:$0x6B8];
	v12 =	vand.u32 $0x7F, v12;
	v58 =	vand.u32 $0x7F, v14;
	v14 =	vshll.u32 v14, $0x3  }
0x15e: {  	v59 =	vshll.u32 v52, $0x3;
	v15 =	vand.u32 $0x7F, v52;
	v62 =	vshll.u32 v56, $0x3  }
0x15f: {  	v16 =	vand.u32 $0x7F, v56;
	v63 =	vshll.u32 v57, $0x3;
	v27 =	vshll.u32 v60, $0x3  }
0x160: {  	v19 =	vand.u32 $0x7F, v60;
	v28 =	vshll.u32 v61, $0x3;
	v17 =	vand.u32 $0x7F, v61  }
0x161: {  	v21 =	vshll.u32 v24, $0x3;
	v32 =	vshll.u32 v26, $0x3;
	v20 =	vand.u32 $0x7F, v26  }
0x162: {  	v35 =	vshll.u32 v30, $0x3;
	v36 =	vand.u32 $0x7F, v30;
	v37 =	vshll.u32 v31, $0x3  }
0x163: {  	v38 =	vand.u32 $0x7F, v31;
	v13 =	vand.u32 $0xFFFFFC00, v51;
	v55 =	vand.u32 $0xFFFFFC00, v54  }
0x164: {  	v14 =	vand.u32 $0xFFFFFC00, v14;
	v18 =	vand.u32 $0xFFFFFC00, v59;
	v10 =	vor.u32 v13, v10  }
0x165: {  	v25 =	vand.u32 $0xFFFFFC00, v63;
	v12 =	vor.u32 v55, v12;
	v10 =	vor.u32 $0x280, v10  }
0x166: {  	v29 =	vand.u32 $0xFFFFFC00, v28;
	v14 =	vor.u32 v14, v58;
	v12 =	vor.u32 $0x280, v12  }
0x167: {  	v13 =	vand.u32 $0xFFFFFC00, v53;
	v15 =	vor.u32 v18, v15;
	v14 =	vor.u32 $0x280, v14  }
0x168: {  	v39 =	vand.u32 $0xFFFFFC00, v37;
	v11 =	vor.u32 v13, v11;
	v15 =	vor.u32 $0x280, v15  }
0x169: {  	v18 =	vand.u32 $0xFFFFFC00, v62;
	v17 =	vor.u32 v29, v17;
	v11 =	vor.u32 $0x280, v11  }
0x16a: {  	v16 =	vor.u32 v18, v16;
	v13 =	vand.u32 $0x7F, v57;
	v34 =	vor.u32 $0x280, v17;
	[tilespmem:v10+s10+$0x0] =	vst.idx.msk $0xffff, v1  }
0x16b: {  	v18 =	vand.u32 $0xFFFFFC00, v27;
	v16 =	vor.u32 $0x280, v16;
	v13 =	vor.u32 v25, v13;
	[tilespmem:v12+s10+$0x0] =	vst.idx.msk $0xffff, v1  }
0x16c: {  	v18 =	vor.u32 v18, v19;
	v13 =	vor.u32 $0x280, v13;
	[tilespmem:v14+s10+$0x0] =	vst.idx.msk $0xffff, v1;
	v14 =	vand.u32 $0xFFFFFC00, v35  }
0x16d: {  	v41 =	vor.u32 v39, v38;
	v18 =	vor.u32 $0x280, v18;
	[tilespmem:v15+s10+$0x0] =	vst.idx.msk $0xffff, v1;
	v14 =	vor.u32 v14, v36  }
0x16e: {  	v10 =	vand.u32 $0x7F, v24;
	[tilespmem:v11+s10+$0x0] =	vst.idx.msk $0xffff, v1;
	v11 =	vand.u32 $0xFFFFFC00, v21;
	v40 =	vor.u32 $0x280, v14  }
0x16f: {  	v33 =	vand.u32 $0xFFFFFC00, v32;
	[tilespmem:v34+s10+$0x0] =	vst.idx.msk $0xffff, v1;
	v10 =	vor.u32 v11, v10;
	v14 =	vor.u32 $0x280, v41  }
0x170: {  	[tilespmem:v16+s10+$0x0] =	vst.idx.msk $0xffff, v1;
	v11 =	vor.u32 v33, v20;
	v10 =	vor.u32 $0x280, v10  }
0x171: {  	[tilespmem:v13+s10+$0x0] =	vst.idx.msk $0xffff, v1;
	v11 =	vor.u32 $0x280, v11  }
0x172: {  	[tilespmem:v18+s10+$0x0] =	vst.idx.msk $0xffff, v1  }
0x173: {  	[tilespmem:v40+s10+$0x0] =	vst.idx.msk $0xffff, v1  }
0x174: {  	[tilespmem:v14+s10+$0x0] =	vst.idx.msk $0xffff, v1  }
0x175: {  	[tilespmem:v10+s10+$0x0] =	vst.idx.msk $0xffff, v1  }
0x176: {  	[tilespmem:v11+s10+$0x0] =	vst.idx.msk $0xffff, v1  }
0x177: {  	v10 =	vld [tilespmem:$0x300]  }
0x178: {  	v11 =	vld [tilespmem:$0x310]  }
0x179: {  	v12 =	vld [tilespmem:$0x320]  }
0x17a: {  	v14 =	vld [tilespmem:$0x330]  }
0x17b: {  	v43 =	vld [tilespmem:$0x340]  }
0x17c: {  	v47 =	vld [tilespmem:$0x350]  }
0x17d: {  	v48 =	vld [tilespmem:$0x360]  }
0x17e: {  	v51 =	vld [tilespmem:$0x370]  }
0x17f: {  	v52 =	vld [tilespmem:$0x700]  }
0x180: {  	v55 =	vld [tilespmem:$0x710]  }
0x181: {  	v57 =	vld [tilespmem:$0x720];
	v42 =	vshll.u32 v10, $0x3;
	v10 =	vand.u32 $0x7F, v10  }
0x182: {  	v61 =	vld [tilespmem:$0x730];
	v44 =	vshll.u32 v11, $0x3;
	v11 =	vand.u32 $0x7F, v11;
	v45 =	vshll.u32 v12, $0x3  }
0x183: {  	v62 =	vld [tilespmem:$0x738];
	v12 =	vand.u32 $0x7F, v12;
	v49 =	vand.u32 $0x7F, v14;
	v14 =	vshll.u32 v14, $0x3  }
0x184: {  	v50 =	vshll.u32 v43, $0x3;
	v15 =	vand.u32 $0x7F, v43;
	v53 =	vshll.u32 v47, $0x3  }
0x185: {  	v16 =	vand.u32 $0x7F, v47;
	v54 =	vshll.u32 v48, $0x3;
	v58 =	vshll.u32 v51, $0x3  }
0x186: {  	v19 =	vand.u32 $0x7F, v51;
	v59 =	vshll.u32 v52, $0x3;
	v17 =	vand.u32 $0x7F, v52  }
0x187: {  	v21 =	vshll.u32 v55, $0x3;
	v63 =	vshll.u32 v57, $0x3;
	v20 =	vand.u32 $0x7F, v57  }
0x188: {  	v26 =	vshll.u32 v61, $0x3;
	v27 =	vand.u32 $0x7F, v61;
	v28 =	vshll.u32 v62, $0x3  }
0x189: {  	v29 =	vand.u32 $0x7F, v62;
	v13 =	vand.u32 $0xFFFFFC00, v42;
	v46 =	vand.u32 $0xFFFFFC00, v45  }
0x18a: {  	v14 =	vand.u32 $0xFFFFFC00, v14;
	v18 =	vand.u32 $0xFFFFFC00, v50;
	v10 =	vor.u32 v13, v10  }
0x18b: {  	v56 =	vand.u32 $0xFFFFFC00, v54;
	v12 =	vor.u32 v46, v12;
	v10 =	vor.u32 $0x300, v10  }
0x18c: {  	v60 =	vand.u32 $0xFFFFFC00, v59;
	v14 =	vor.u32 v14, v49;
	v12 =	vor.u32 $0x300, v12  }
0x18d: {  	v13 =	vand.u32 $0xFFFFFC00, v44;
	v15 =	vor.u32 v18, v15;
	v14 =	vor.u32 $0x300, v14  }
0x18e: {  	v30 =	vand.u32 $0xFFFFFC00, v28;
	v11 =	vor.u32 v13, v11;
	v15 =	vor.u32 $0x300, v15  }
0x18f: {  	v18 =	vand.u32 $0xFFFFFC00, v53;
	v17 =	vor.u32 v60, v17;
	v11 =	vor.u32 $0x300, v11  }
0x190: {  	v16 =	vor.u32 v18, v16;
	v13 =	vand.u32 $0x7F, v48;
	v25 =	vor.u32 $0x300, v17;
	[tilespmem:v10+s10+$0x0] =	vst.idx.msk $0xffff, v1  }
0x191: {  	v18 =	vand.u32 $0xFFFFFC00, v58;
	v16 =	vor.u32 $0x300, v16;
	v13 =	vor.u32 v56, v13;
	[tilespmem:v12+s10+$0x0] =	vst.idx.msk $0xffff, v1  }
0x192: {  	v18 =	vor.u32 v18, v19;
	v13 =	vor.u32 $0x300, v13;
	[tilespmem:v14+s10+$0x0] =	vst.idx.msk $0xffff, v1;
	v14 =	vand.u32 $0xFFFFFC00, v26  }
0x193: {  	v32 =	vor.u32 v30, v29;
	v18 =	vor.u32 $0x300, v18;
	[tilespmem:v15+s10+$0x0] =	vst.idx.msk $0xffff, v1;
	v14 =	vor.u32 v14, v27  }
0x194: {  	v10 =	vand.u32 $0x7F, v55;
	[tilespmem:v11+s10+$0x0] =	vst.idx.msk $0xffff, v1;
	v11 =	vand.u32 $0xFFFFFC00, v21;
	v31 =	vor.u32 $0x300, v14  }
0x195: {  	v24 =	vand.u32 $0xFFFFFC00, v63;
	[tilespmem:v25+s10+$0x0] =	vst.idx.msk $0xffff, v1;
	v10 =	vor.u32 v11, v10;
	v14 =	vor.u32 $0x300, v32  }
0x196: {  	[tilespmem:v16+s10+$0x0] =	vst.idx.msk $0xffff, v1;
	v11 =	vor.u32 v24, v20;
	v10 =	vor.u32 $0x300, v10  }
0x197: {  	[tilespmem:v13+s10+$0x0] =	vst.idx.msk $0xffff, v1;
	v11 =	vor.u32 $0x300, v11  }
0x198: {  	[tilespmem:v18+s10+$0x0] =	vst.idx.msk $0xffff, v1  }
0x199: {  	[tilespmem:v31+s10+$0x0] =	vst.idx.msk $0xffff, v1  }
0x19a: {  	[tilespmem:v14+s10+$0x0] =	vst.idx.msk $0xffff, v1  }
0x19b: {  	[tilespmem:v10+s10+$0x0] =	vst.idx.msk $0xffff, v1  }
0x19c: {  	[tilespmem:v11+s10+$0x0] =	vst.idx.msk $0xffff, v1  }
0x19d: {  	v10 =	vld [tilespmem:$0x380]  }
0x19e: {  	v11 =	vld [tilespmem:$0x390]  }
0x19f: {  	v12 =	vld [tilespmem:$0x3A0]  }
0x1a0: {  	v13 =	vld [tilespmem:$0x3B0]  }
0x1a1: {  	v35 =	vld [tilespmem:$0x3C0]  }
0x1a2: {  	v36 =	vld [tilespmem:$0x3D0]  }
0x1a3: {  	v18 =	vld [tilespmem:$0x3E0]  }
0x1a4: {  	v40 =	vld [tilespmem:$0x3F0]  }
0x1a5: {  	v43 =	vld [tilespmem:$0x780]  }
0x1a6: {  	v45 =	vld [tilespmem:$0x790];
	v33 =	vand.u32 $0x7F, v10;
	v10 =	vshll.u32 v10, $0x3  }
0x1a7: {  	v48 =	vld [tilespmem:$0x7A0];
	v34 =	vshll.u32 v11, $0x3;
	v11 =	vand.u32 $0x7F, v11;
	v37 =	vshll.u32 v12, $0x3  }
0x1a8: {  	v50 =	vld [tilespmem:$0x7B0];
	v12 =	vand.u32 $0x7F, v12;
	v38 =	vshll.u32 v13, $0x3;
	v13 =	vand.u32 $0x7F, v13  }
0x1a9: {  	v41 =	vshll.u32 v35, $0x3;
	v16 =	vand.u32 $0x7F, v35;
	v42 =	vshll.u32 v36, $0x3  }
0x1aa: {  	v14 =	vand.u32 $0x7F, v36;
	v46 =	vand.u32 $0x7F, v18;
	v18 =	vshll.u32 v18, $0x3  }
0x1ab: {  	v47 =	vshll.u32 v40, $0x3;
	v17 =	vand.u32 $0x7F, v40;
	v49 =	vshll.u32 v43, $0x3  }
0x1ac: {  	v20 =	vand.u32 $0x7F, v43;
	v51 =	vshll.u32 v45, $0x3;
	v19 =	vand.u32 $0x7F, v45  }
0x1ad: {  	v55 =	vshll.u32 v48, $0x3;
	v56 =	vand.u32 $0x7F, v48;
	v58 =	vshll.u32 v50, $0x3  }
0x1ae: {  	v60 =	vand.u32 $0x7F, v50;
	v10 =	vand.u32 $0xFFFFFC00, v10;
	v15 =	vand.u32 $0xFFFFFC00, v34  }
0x1af: {  	v39 =	vand.u32 $0xFFFFFC00, v38;
	v21 =	vand.u32 $0xFFFFFC00, v47;
	v10 =	vor.u32 v10, v33  }
0x1b0: {  	v53 =	vld [tilespmem:$0x7B8];
	v11 =	vor.u32 v15, v11;
	v15 =	vand.u32 $0xFFFFFC00, v37;
	v10 =	vor.u32 $0x380, v10  }
0x1b1: {  	v13 =	vor.u32 v39, v13;
	v17 =	vor.u32 v21, v17;
	v11 =	vor.u32 $0x380, v11  }
0x1b2: {  	v12 =	vor.u32 v15, v12;
	v15 =	vand.u32 $0xFFFFFC00, v41;
	v13 =	vor.u32 $0x380, v13  }
0x1b3: {  	v44 =	vand.u32 $0xFFFFFC00, v42;
	v57 =	vor.u32 $0x380, v17;
	v15 =	vor.u32 v15, v16  }
0x1b4: {  	v18 =	vand.u32 $0xFFFFFC00, v18;
	v14 =	vor.u32 v44, v14;
	v15 =	vor.u32 $0x380, v15  }
0x1b5: {  	v62 =	vshll.u32 v53, $0x3;
	v16 =	vor.u32 v18, v46;
	[tilespmem:v10+s10+$0x0] =	vst.idx.msk $0xffff, v1;
	v10 =	vor.u32 $0x380, v14  }
0x1b6: {  	v63 =	vand.u32 $0x7F, v53;
	v18 =	vand.u32 $0xFFFFFC00, v49;
	[tilespmem:v11+s10+$0x0] =	vst.idx.msk $0xffff, v1;
	v11 =	vor.u32 $0x380, v16  }
0x1b7: {  	v52 =	vand.u32 $0xFFFFFC00, v51;
	v12 =	vor.u32 $0x380, v12;
	v18 =	vor.u32 v18, v20;
	[tilespmem:v13+s10+$0x0] =	vst.idx.msk $0xffff, v1  }
0x1b8: {  	v54 =	vor.u32 v52, v19;
	v17 =	vand.u32 $0xFFFFFC00, v58;
	v59 =	vor.u32 $0x380, v18;
	[tilespmem:v57+s10+$0x0] =	vst.idx.msk $0xffff, v1  }
0x1b9: {  	v19 =	vand.u32 $0xFFFFFC00, v55;
	v61 =	vor.u32 v17, v60;
	v14 =	vor.u32 $0x380, v54;
	[tilespmem:v15+s10+$0x0] =	vst.idx.msk $0xffff, v1  }
0x1ba: {  	v17 =	vand.u32 $0xFFFFFC00, v62;
	v16 =	vor.u32 v19, v56;
	v15 =	vor.u32 $0x380, v61;
	[tilespmem:v10+s10+$0x0] =	vst.idx.msk $0xffff, v1  }
0x1bb: {  	v10 =	vor.u32 $0x380, v16;
	[tilespmem:v11+s10+$0x0] =	vst.idx.msk $0xffff, v1;
	v11 =	vor.u32 v17, v63  }
0x1bc: {  	[tilespmem:v12+s10+$0x0] =	vst.idx.msk $0xffff, v1;
	v11 =	vor.u32 $0x380, v11  }
0x1bd: {  	[tilespmem:v59+s10+$0x0] =	vst.idx.msk $0xffff, v1  }
0x1be: {  	[tilespmem:v14+s10+$0x0] =	vst.idx.msk $0xffff, v1  }
0x1bf: {  	[tilespmem:v15+s10+$0x0] =	vst.idx.msk $0xffff, v1  }
0x1c0: {  	[tilespmem:v10+s10+$0x0] =	vst.idx.msk $0xffff, v1  }
0x1c1: {  	[tilespmem:v11+s10+$0x0] =	vst.idx.msk $0xffff, v1  }
0x1c2: {  	[tilespmem:v6+s10+$0x0] =	vst.idx.msk $0x1, v0  }
0x1c3: {  	[tilespmem:v7+s10+$0x0] =	vst.idx.msk $0x1, v0  }
0x1c4: {  	[tilespmem:v8+s10+$0x0] =	vst.idx.msk $0x1, v0  }
0x1c5: {  	s13 =	simm.s32 $0x0;
	s14 =	simm.s32 $0x8200;
	[tilespmem:v9+s10+$0x0] =	vst.idx.msk $0x1, v0  }
.LBB2_8:
0x1c6: {  	p0 =	sne.s32 s13, $0x1F80  }
.Ltmp3:
0x1c7: {  	_ = 	snop;
	(pc) =	sbr.rel @p0 .LBB2_8-.Ltmp3, $4  }
0x1c8: {  	_ = 	snop  }
0x1c9: {  	s15 =	sadd.s32 s13, s6  }
0x1ca: {  	[hbm4b:s15+s3] =	stream.linear.scatter [tilespmem:s14], [sflag:$0x2], $0x200, $0x38;
	[tilespmem:$0x18000] =	vst v63  }
0x1cb: {  	s13 =	sadd.s32 $0x80, s13;
	s14 =	sadd.s32 $0x400, s14  }
0x1cc: {  	s13 =	simm.s32 $0x1  }
.LBB2_10:
0x1cd: {  	_ =	swait.ge [sflag:s11], $0x8000  }
0x1ce: {  	[sflag:s11] =	ssyncset.done $0x0  }
0x1cf: {  	s14 =	sshll.u32 s13, $0xB;
	[sflag:s11] =	ssyncadd.s32 $0xFFFF8000  }
0x1d0: {  	v10 =	vld [tilespmem:s14+$0xFFFFF800]  }
0x1d1: {  	v11 =	vld [tilespmem:s14+$0xFFFFF810]  }
0x1d2: {  	v12 =	vld [tilespmem:s14+$0xFFFFF820]  }
0x1d3: {  	v13 =	vld [tilespmem:s14+$0xFFFFF830]  }
0x1d4: {  	v15 =	vld [tilespmem:s14+$0xFFFFF840]  }
0x1d5: {  	v18 =	vld [tilespmem:s14+$0xFFFFF850]  }
0x1d6: {  	v19 =	vld [tilespmem:s14+$0xFFFFF860]  }
0x1d7: {  	v20 =	vld [tilespmem:s14+$0xFFFFFC00];
	v14 =	vshll.u32 v10, $0x3;
	v10 =	vand.u32 $0x7F, v10;
	v16 =	vand.u32 $0x7F, v11  }
0x1d8: {  	v11 =	vshll.u32 v11, $0x3;
	v17 =	vshll.u32 v12, $0x3;
	v12 =	vand.u32 $0x7F, v12  }
0x1d9: {  	v33 =	vld [tilespmem:s14+$0xFFFFFC10];
	v30 =	vand.u32 $0x7F, v13;
	v13 =	vshll.u32 v13, $0x3;
	v31 =	vshll.u32 v15, $0x3  }
0x1da: {  	v15 =	vand.u32 $0x7F, v15;
	v32 =	vshll.u32 v18, $0x3;
	v18 =	vand.u32 $0x7F, v18  }
0x1db: {  	v22 =	vld [tilespmem:s14+$0xFFFFFC20];
	v21 =	vshll.u32 v19, $0x3;
	v34 =	vand.u32 $0x7F, v19;
	v14 =	vand.u32 $0xFFFFFC00, v14  }
0x1dc: {  	v29 =	vld [tilespmem:s14+$0xFFFFF870];
	v36 =	vshll.u32 v20, $0x3;
	v11 =	vand.u32 $0xFFFFFC00, v11;
	v10 =	vor.u32 v10, v14  }
0x1dd: {  	v37 =	vand.u32 $0x7F, v20;
	v17 =	vand.u32 $0xFFFFFC00, v17;
	v11 =	vor.u32 v16, v11  }
0x1de: {  	v40 =	vand.u32 $0x7F, v33;
	v13 =	vand.u32 $0xFFFFFC00, v13;
	v12 =	vor.u32 v12, v17  }
0x1df: {  	v23 =	vld [tilespmem:s14+$0xFFFFFC30];
	v41 =	vshll.u32 v33, $0x3;
	v17 =	vand.u32 $0xFFFFFC00, v31;
	v13 =	vor.u32 v30, v13  }
0x1e0: {  	s15 =	simm.s32 $0x8000;
	v42 =	vshll.u32 v22, $0x3;
	v16 =	vand.u32 $0xFFFFFC00, v32;
	v15 =	vor.u32 v15, v17  }
0x1e1: {  	v39 =	vld [tilespmem:s14+$0xFFFFFC38];
	v35 =	vand.u32 $0xFFFFFC00, v21;
	v14 =	vshll.u32 v29, $0x3;
	v16 =	vor.u32 v18, v16;
	[tilespmem:v10+s15+$0x0] =	vst.idx.msk $0xffff, v0  }
0x1e2: {  	v18 =	vor.u32 v34, v35;
	v10 =	vand.u32 $0x7F, v29;
	[tilespmem:v11+s15+$0x0] =	vst.idx.msk $0xffff, v0;
	v11 =	vand.u32 $0xFFFFFC00, v14  }
0x1e3: {  	v44 =	vand.u32 $0x7F, v22;
	v17 =	vand.u32 $0xFFFFFC00, v42;
	[tilespmem:v12+s15+$0x0] =	vst.idx.msk $0xffff, v0;
	v10 =	vor.u32 v10, v11  }
0x1e4: {  	v46 =	vshll.u32 v23, $0x3;
	v43 =	vand.u32 $0xFFFFFC00, v41;
	v45 =	vor.u32 v44, v17;
	[tilespmem:v13+s15+$0x0] =	vst.idx.msk $0xffff, v0  }
0x1e5: {  	v47 =	vand.u32 $0x7F, v23;
	v38 =	vand.u32 $0xFFFFFC00, v36;
	v12 =	vor.u32 v40, v43;
	[tilespmem:v15+s15+$0x0] =	vst.idx.msk $0xffff, v0  }
0x1e6: {  	v48 =	vshll.u32 v39, $0x3;
	v14 =	vand.u32 $0xFFFFFC00, v46;
	v11 =	vor.u32 v37, v38;
	[tilespmem:v16+s15+$0x0] =	vst.idx.msk $0xffff, v0  }
0x1e7: {  	v49 =	vand.u32 $0x7F, v39;
	[tilespmem:v18+s15+$0x0] =	vst.idx.msk $0xffff, v0;
	v14 =	vor.u32 v47, v14;
	v16 =	vand.u32 $0xFFFFFC00, v48  }
0x1e8: {  	[tilespmem:v10+s15+$0x0] =	vst.idx.msk $0xffff, v0;
	v10 =	vor.u32 v49, v16  }
0x1e9: {  	[tilespmem:v45+s15+$0x0] =	vst.idx.msk $0xffff, v0  }
0x1ea: {  	[tilespmem:v12+s15+$0x0] =	vst.idx.msk $0xffff, v0  }
0x1eb: {  	[tilespmem:v11+s15+$0x0] =	vst.idx.msk $0xffff, v0  }
0x1ec: {  	[tilespmem:v14+s15+$0x0] =	vst.idx.msk $0xffff, v0  }
0x1ed: {  	[tilespmem:v10+s15+$0x0] =	vst.idx.msk $0xffff, v0  }
0x1ee: {  	v10 =	vld [tilespmem:s14+$0xFFFFF880]  }
0x1ef: {  	v11 =	vld [tilespmem:s14+$0xFFFFF890]  }
0x1f0: {  	v12 =	vld [tilespmem:s14+$0xFFFFF8A0]  }
0x1f1: {  	v14 =	vld [tilespmem:s14+$0xFFFFF8B0]  }
0x1f2: {  	v51 =	vld [tilespmem:s14+$0xFFFFF8C0]  }
0x1f3: {  	v55 =	vld [tilespmem:s14+$0xFFFFF8D0]  }
0x1f4: {  	v56 =	vld [tilespmem:s14+$0xFFFFF8E0]  }
0x1f5: {  	v59 =	vld [tilespmem:s14+$0xFFFFF8F0]  }
0x1f6: {  	v60 =	vld [tilespmem:s14+$0xFFFFFC80]  }
0x1f7: {  	v63 =	vld [tilespmem:s14+$0xFFFFFC90]  }
0x1f8: {  	v25 =	vld [tilespmem:s14+$0xFFFFFCA0];
	v50 =	vshll.u32 v10, $0x3;
	v10 =	vand.u32 $0x7F, v10  }
0x1f9: {  	v29 =	vld [tilespmem:s14+$0xFFFFFCB0];
	v52 =	vshll.u32 v11, $0x3;
	v11 =	vand.u32 $0x7F, v11;
	v53 =	vshll.u32 v12, $0x3  }
0x1fa: {  	v30 =	vld [tilespmem:s14+$0xFFFFFCB8];
	v12 =	vand.u32 $0x7F, v12;
	v57 =	vand.u32 $0x7F, v14;
	v14 =	vshll.u32 v14, $0x3  }
0x1fb: {  	v58 =	vshll.u32 v51, $0x3;
	v15 =	vand.u32 $0x7F, v51;
	v61 =	vshll.u32 v55, $0x3  }
0x1fc: {  	v16 =	vand.u32 $0x7F, v55;
	v62 =	vshll.u32 v56, $0x3;
	v26 =	vshll.u32 v59, $0x3  }
0x1fd: {  	v19 =	vand.u32 $0x7F, v59;
	v27 =	vshll.u32 v60, $0x3;
	v17 =	vand.u32 $0x7F, v60  }
0x1fe: {  	v21 =	vshll.u32 v63, $0x3;
	v31 =	vshll.u32 v25, $0x3;
	v20 =	vand.u32 $0x7F, v25  }
0x1ff: {  	v34 =	vshll.u32 v29, $0x3;
	v35 =	vand.u32 $0x7F, v29;
	v36 =	vshll.u32 v30, $0x3  }
0x200: {  	v37 =	vand.u32 $0x7F, v30;
	v13 =	vand.u32 $0xFFFFFC00, v50;
	v54 =	vand.u32 $0xFFFFFC00, v53  }
0x201: {  	v14 =	vand.u32 $0xFFFFFC00, v14;
	v18 =	vand.u32 $0xFFFFFC00, v58;
	v10 =	vor.u32 v13, v10  }
0x202: {  	v24 =	vand.u32 $0xFFFFFC00, v62;
	v12 =	vor.u32 v54, v12;
	v10 =	vor.u32 $0x80, v10  }
0x203: {  	v28 =	vand.u32 $0xFFFFFC00, v27;
	v14 =	vor.u32 v14, v57;
	v12 =	vor.u32 $0x80, v12  }
0x204: {  	v13 =	vand.u32 $0xFFFFFC00, v52;
	v15 =	vor.u32 v18, v15;
	v14 =	vor.u32 $0x80, v14  }
0x205: {  	v38 =	vand.u32 $0xFFFFFC00, v36;
	v11 =	vor.u32 v13, v11;
	v15 =	vor.u32 $0x80, v15  }
0x206: {  	v18 =	vand.u32 $0xFFFFFC00, v61;
	v17 =	vor.u32 v28, v17;
	v11 =	vor.u32 $0x80, v11  }
0x207: {  	v16 =	vor.u32 v18, v16;
	v13 =	vand.u32 $0x7F, v56;
	v33 =	vor.u32 $0x80, v17;
	[tilespmem:v10+s15+$0x0] =	vst.idx.msk $0xffff, v0  }
0x208: {  	v18 =	vand.u32 $0xFFFFFC00, v26;
	v16 =	vor.u32 $0x80, v16;
	v13 =	vor.u32 v24, v13;
	[tilespmem:v12+s15+$0x0] =	vst.idx.msk $0xffff, v0  }
0x209: {  	v18 =	vor.u32 v18, v19;
	v13 =	vor.u32 $0x80, v13;
	[tilespmem:v14+s15+$0x0] =	vst.idx.msk $0xffff, v0;
	v14 =	vand.u32 $0xFFFFFC00, v34  }
0x20a: {  	v40 =	vor.u32 v38, v37;
	v18 =	vor.u32 $0x80, v18;
	[tilespmem:v15+s15+$0x0] =	vst.idx.msk $0xffff, v0;
	v14 =	vor.u32 v14, v35  }
0x20b: {  	v10 =	vand.u32 $0x7F, v63;
	[tilespmem:v11+s15+$0x0] =	vst.idx.msk $0xffff, v0;
	v11 =	vand.u32 $0xFFFFFC00, v21;
	v39 =	vor.u32 $0x80, v14  }
0x20c: {  	v32 =	vand.u32 $0xFFFFFC00, v31;
	[tilespmem:v33+s15+$0x0] =	vst.idx.msk $0xffff, v0;
	v10 =	vor.u32 v11, v10;
	v14 =	vor.u32 $0x80, v40  }
0x20d: {  	[tilespmem:v16+s15+$0x0] =	vst.idx.msk $0xffff, v0;
	v11 =	vor.u32 v32, v20;
	v10 =	vor.u32 $0x80, v10  }
0x20e: {  	[tilespmem:v13+s15+$0x0] =	vst.idx.msk $0xffff, v0;
	v11 =	vor.u32 $0x80, v11  }
0x20f: {  	[tilespmem:v18+s15+$0x0] =	vst.idx.msk $0xffff, v0  }
0x210: {  	[tilespmem:v39+s15+$0x0] =	vst.idx.msk $0xffff, v0  }
0x211: {  	[tilespmem:v14+s15+$0x0] =	vst.idx.msk $0xffff, v0  }
0x212: {  	[tilespmem:v10+s15+$0x0] =	vst.idx.msk $0xffff, v0  }
0x213: {  	[tilespmem:v11+s15+$0x0] =	vst.idx.msk $0xffff, v0  }
0x214: {  	v10 =	vld [tilespmem:s14+$0xFFFFF900]  }
0x215: {  	v11 =	vld [tilespmem:s14+$0xFFFFF910]  }
0x216: {  	v12 =	vld [tilespmem:s14+$0xFFFFF920]  }
0x217: {  	v14 =	vld [tilespmem:s14+$0xFFFFF930]  }
0x218: {  	v42 =	vld [tilespmem:s14+$0xFFFFF940]  }
0x219: {  	v46 =	vld [tilespmem:s14+$0xFFFFF950]  }
0x21a: {  	v47 =	vld [tilespmem:s14+$0xFFFFF960]  }
0x21b: {  	v50 =	vld [tilespmem:s14+$0xFFFFF970]  }
0x21c: {  	v51 =	vld [tilespmem:s14+$0xFFFFFD00]  }
0x21d: {  	v54 =	vld [tilespmem:s14+$0xFFFFFD10]  }
0x21e: {  	v56 =	vld [tilespmem:s14+$0xFFFFFD20];
	v41 =	vshll.u32 v10, $0x3;
	v10 =	vand.u32 $0x7F, v10  }
0x21f: {  	v60 =	vld [tilespmem:s14+$0xFFFFFD30];
	v43 =	vshll.u32 v11, $0x3;
	v11 =	vand.u32 $0x7F, v11;
	v44 =	vshll.u32 v12, $0x3  }
0x220: {  	v61 =	vld [tilespmem:s14+$0xFFFFFD38];
	v12 =	vand.u32 $0x7F, v12;
	v48 =	vand.u32 $0x7F, v14;
	v14 =	vshll.u32 v14, $0x3  }
0x221: {  	v49 =	vshll.u32 v42, $0x3;
	v15 =	vand.u32 $0x7F, v42;
	v52 =	vshll.u32 v46, $0x3  }
0x222: {  	v16 =	vand.u32 $0x7F, v46;
	v53 =	vshll.u32 v47, $0x3;
	v57 =	vshll.u32 v50, $0x3  }
0x223: {  	v19 =	vand.u32 $0x7F, v50;
	v58 =	vshll.u32 v51, $0x3;
	v17 =	vand.u32 $0x7F, v51  }
0x224: {  	v21 =	vshll.u32 v54, $0x3;
	v62 =	vshll.u32 v56, $0x3;
	v20 =	vand.u32 $0x7F, v56  }
0x225: {  	v24 =	vshll.u32 v60, $0x3;
	v25 =	vand.u32 $0x7F, v60;
	v26 =	vshll.u32 v61, $0x3  }
0x226: {  	v27 =	vand.u32 $0x7F, v61;
	v13 =	vand.u32 $0xFFFFFC00, v41;
	v45 =	vand.u32 $0xFFFFFC00, v44  }
0x227: {  	v14 =	vand.u32 $0xFFFFFC00, v14;
	v18 =	vand.u32 $0xFFFFFC00, v49;
	v10 =	vor.u32 v13, v10  }
0x228: {  	v55 =	vand.u32 $0xFFFFFC00, v53;
	v12 =	vor.u32 v45, v12;
	v10 =	vor.u32 $0x100, v10  }
0x229: {  	v59 =	vand.u32 $0xFFFFFC00, v58;
	v14 =	vor.u32 v14, v48;
	v12 =	vor.u32 $0x100, v12  }
0x22a: {  	v13 =	vand.u32 $0xFFFFFC00, v43;
	v15 =	vor.u32 v18, v15;
	v14 =	vor.u32 $0x100, v14  }
0x22b: {  	v28 =	vand.u32 $0xFFFFFC00, v26;
	v11 =	vor.u32 v13, v11;
	v15 =	vor.u32 $0x100, v15  }
0x22c: {  	v18 =	vand.u32 $0xFFFFFC00, v52;
	v17 =	vor.u32 v59, v17;
	v11 =	vor.u32 $0x100, v11  }
0x22d: {  	v16 =	vor.u32 v18, v16;
	v13 =	vand.u32 $0x7F, v47;
	v23 =	vor.u32 $0x100, v17;
	[tilespmem:v10+s15+$0x0] =	vst.idx.msk $0xffff, v0  }
0x22e: {  	v18 =	vand.u32 $0xFFFFFC00, v57;
	v16 =	vor.u32 $0x100, v16;
	v13 =	vor.u32 v55, v13;
	[tilespmem:v12+s15+$0x0] =	vst.idx.msk $0xffff, v0  }
0x22f: {  	v18 =	vor.u32 v18, v19;
	v13 =	vor.u32 $0x100, v13;
	[tilespmem:v14+s15+$0x0] =	vst.idx.msk $0xffff, v0;
	v14 =	vand.u32 $0xFFFFFC00, v24  }
0x230: {  	v30 =	vor.u32 v28, v27;
	v18 =	vor.u32 $0x100, v18;
	[tilespmem:v15+s15+$0x0] =	vst.idx.msk $0xffff, v0;
	v14 =	vor.u32 v14, v25  }
0x231: {  	v10 =	vand.u32 $0x7F, v54;
	[tilespmem:v11+s15+$0x0] =	vst.idx.msk $0xffff, v0;
	v11 =	vand.u32 $0xFFFFFC00, v21;
	v29 =	vor.u32 $0x100, v14  }
0x232: {  	v63 =	vand.u32 $0xFFFFFC00, v62;
	[tilespmem:v23+s15+$0x0] =	vst.idx.msk $0xffff, v0;
	v10 =	vor.u32 v11, v10;
	v14 =	vor.u32 $0x100, v30  }
0x233: {  	[tilespmem:v16+s15+$0x0] =	vst.idx.msk $0xffff, v0;
	v11 =	vor.u32 v63, v20;
	v10 =	vor.u32 $0x100, v10  }
0x234: {  	[tilespmem:v13+s15+$0x0] =	vst.idx.msk $0xffff, v0;
	v11 =	vor.u32 $0x100, v11  }
0x235: {  	[tilespmem:v18+s15+$0x0] =	vst.idx.msk $0xffff, v0  }
0x236: {  	[tilespmem:v29+s15+$0x0] =	vst.idx.msk $0xffff, v0  }
0x237: {  	[tilespmem:v14+s15+$0x0] =	vst.idx.msk $0xffff, v0  }
0x238: {  	[tilespmem:v10+s15+$0x0] =	vst.idx.msk $0xffff, v0  }
0x239: {  	[tilespmem:v11+s15+$0x0] =	vst.idx.msk $0xffff, v0  }
0x23a: {  	v10 =	vld [tilespmem:s14+$0xFFFFF980]  }
0x23b: {  	v11 =	vld [tilespmem:s14+$0xFFFFF990]  }
0x23c: {  	v12 =	vld [tilespmem:s14+$0xFFFFF9A0]  }
0x23d: {  	v14 =	vld [tilespmem:s14+$0xFFFFF9B0]  }
0x23e: {  	v32 =	vld [tilespmem:s14+$0xFFFFF9C0]  }
0x23f: {  	v36 =	vld [tilespmem:s14+$0xFFFFF9D0]  }
0x240: {  	v37 =	vld [tilespmem:s14+$0xFFFFF9E0]  }
0x241: {  	v40 =	vld [tilespmem:s14+$0xFFFFF9F0]  }
0x242: {  	v41 =	vld [tilespmem:s14+$0xFFFFFD80]  }
0x243: {  	v44 =	vld [tilespmem:s14+$0xFFFFFD90]  }
0x244: {  	v46 =	vld [tilespmem:s14+$0xFFFFFDA0];
	v31 =	vshll.u32 v10, $0x3;
	v10 =	vand.u32 $0x7F, v10  }
0x245: {  	v50 =	vld [tilespmem:s14+$0xFFFFFDB0];
	v33 =	vshll.u32 v11, $0x3;
	v11 =	vand.u32 $0x7F, v11;
	v34 =	vshll.u32 v12, $0x3  }
0x246: {  	v51 =	vld [tilespmem:s14+$0xFFFFFDB8];
	v12 =	vand.u32 $0x7F, v12;
	v38 =	vand.u32 $0x7F, v14;
	v14 =	vshll.u32 v14, $0x3  }
0x247: {  	v39 =	vshll.u32 v32, $0x3;
	v15 =	vand.u32 $0x7F, v32;
	v42 =	vshll.u32 v36, $0x3  }
0x248: {  	v16 =	vand.u32 $0x7F, v36;
	v43 =	vshll.u32 v37, $0x3;
	v47 =	vshll.u32 v40, $0x3  }
0x249: {  	v19 =	vand.u32 $0x7F, v40;
	v48 =	vshll.u32 v41, $0x3;
	v17 =	vand.u32 $0x7F, v41  }
0x24a: {  	v21 =	vshll.u32 v44, $0x3;
	v52 =	vshll.u32 v46, $0x3;
	v20 =	vand.u32 $0x7F, v46  }
0x24b: {  	v55 =	vshll.u32 v50, $0x3;
	v56 =	vand.u32 $0x7F, v50;
	v57 =	vshll.u32 v51, $0x3  }
0x24c: {  	v58 =	vand.u32 $0x7F, v51;
	v13 =	vand.u32 $0xFFFFFC00, v31;
	v35 =	vand.u32 $0xFFFFFC00, v34  }
0x24d: {  	v14 =	vand.u32 $0xFFFFFC00, v14;
	v18 =	vand.u32 $0xFFFFFC00, v39;
	v10 =	vor.u32 v13, v10  }
0x24e: {  	v45 =	vand.u32 $0xFFFFFC00, v43;
	v12 =	vor.u32 v35, v12;
	v10 =	vor.u32 $0x180, v10  }
0x24f: {  	v49 =	vand.u32 $0xFFFFFC00, v48;
	v14 =	vor.u32 v14, v38;
	v12 =	vor.u32 $0x180, v12  }
0x250: {  	v13 =	vand.u32 $0xFFFFFC00, v33;
	v15 =	vor.u32 v18, v15;
	v14 =	vor.u32 $0x180, v14  }
0x251: {  	v59 =	vand.u32 $0xFFFFFC00, v57;
	v11 =	vor.u32 v13, v11;
	v15 =	vor.u32 $0x180, v15  }
0x252: {  	v18 =	vand.u32 $0xFFFFFC00, v42;
	v17 =	vor.u32 v49, v17;
	v11 =	vor.u32 $0x180, v11  }
0x253: {  	v16 =	vor.u32 v18, v16;
	v13 =	vand.u32 $0x7F, v37;
	v54 =	vor.u32 $0x180, v17;
	[tilespmem:v10+s15+$0x0] =	vst.idx.msk $0xffff, v0  }
0x254: {  	v18 =	vand.u32 $0xFFFFFC00, v47;
	v16 =	vor.u32 $0x180, v16;
	v13 =	vor.u32 v45, v13;
	[tilespmem:v12+s15+$0x0] =	vst.idx.msk $0xffff, v0  }
0x255: {  	v18 =	vor.u32 v18, v19;
	v13 =	vor.u32 $0x180, v13;
	[tilespmem:v14+s15+$0x0] =	vst.idx.msk $0xffff, v0;
	v14 =	vand.u32 $0xFFFFFC00, v55  }
0x256: {  	v61 =	vor.u32 v59, v58;
	v18 =	vor.u32 $0x180, v18;
	[tilespmem:v15+s15+$0x0] =	vst.idx.msk $0xffff, v0;
	v14 =	vor.u32 v14, v56  }
0x257: {  	v10 =	vand.u32 $0x7F, v44;
	[tilespmem:v11+s15+$0x0] =	vst.idx.msk $0xffff, v0;
	v11 =	vand.u32 $0xFFFFFC00, v21;
	v60 =	vor.u32 $0x180, v14  }
0x258: {  	v53 =	vand.u32 $0xFFFFFC00, v52;
	[tilespmem:v54+s15+$0x0] =	vst.idx.msk $0xffff, v0;
	v10 =	vor.u32 v11, v10;
	v14 =	vor.u32 $0x180, v61  }
0x259: {  	[tilespmem:v16+s15+$0x0] =	vst.idx.msk $0xffff, v0;
	v11 =	vor.u32 v53, v20;
	v10 =	vor.u32 $0x180, v10  }
0x25a: {  	[tilespmem:v13+s15+$0x0] =	vst.idx.msk $0xffff, v0;
	v11 =	vor.u32 $0x180, v11  }
0x25b: {  	[tilespmem:v18+s15+$0x0] =	vst.idx.msk $0xffff, v0  }
0x25c: {  	[tilespmem:v60+s15+$0x0] =	vst.idx.msk $0xffff, v0  }
0x25d: {  	[tilespmem:v14+s15+$0x0] =	vst.idx.msk $0xffff, v0  }
0x25e: {  	[tilespmem:v10+s15+$0x0] =	vst.idx.msk $0xffff, v0  }
0x25f: {  	[tilespmem:v11+s15+$0x0] =	vst.idx.msk $0xffff, v0  }
0x260: {  	v10 =	vld [tilespmem:s14+$0x0]  }
0x261: {  	v11 =	vld [tilespmem:s14+$0x10]  }
0x262: {  	v12 =	vld [tilespmem:s14+$0x20]  }
0x263: {  	v13 =	vld [tilespmem:s14+$0x30]  }
0x264: {  	v63 =	vld [tilespmem:s14+$0x40]  }
0x265: {  	v18 =	vld [tilespmem:s14+$0x50]  }
0x266: {  	v25 =	vld [tilespmem:s14+$0x60]  }
0x267: {  	v29 =	vld [tilespmem:s14+$0x400];
	v62 =	vshll.u32 v10, $0x3;
	v10 =	vand.u32 $0x7F, v10;
	v23 =	vand.u32 $0x7F, v11  }
0x268: {  	v11 =	vshll.u32 v11, $0x3;
	v24 =	vshll.u32 v12, $0x3;
	v12 =	vand.u32 $0x7F, v12  }
0x269: {  	v31 =	vld [tilespmem:s14+$0x410];
	v27 =	vand.u32 $0x7F, v13;
	v13 =	vshll.u32 v13, $0x3;
	v28 =	vshll.u32 v63, $0x3  }
0x26a: {  	v15 =	vand.u32 $0x7F, v63;
	v30 =	vshll.u32 v18, $0x3;
	v18 =	vand.u32 $0x7F, v18  }
0x26b: {  	v33 =	vld [tilespmem:s14+$0x420];
	v32 =	vshll.u32 v25, $0x3;
	v34 =	vand.u32 $0x7F, v25;
	v14 =	vand.u32 $0xFFFFFC00, v62  }
0x26c: {  	v26 =	vld [tilespmem:s14+$0x70];
	v36 =	vshll.u32 v29, $0x3;
	v11 =	vand.u32 $0xFFFFFC00, v11;
	v10 =	vor.u32 v10, v14  }
0x26d: {  	v38 =	vand.u32 $0x7F, v29;
	v17 =	vand.u32 $0xFFFFFC00, v24;
	v11 =	vor.u32 v23, v11  }
0x26e: {  	v41 =	vand.u32 $0x7F, v31;
	v13 =	vand.u32 $0xFFFFFC00, v13;
	v12 =	vor.u32 v12, v17  }
0x26f: {  	v37 =	vld [tilespmem:s14+$0x430];
	v42 =	vshll.u32 v31, $0x3;
	v16 =	vand.u32 $0xFFFFFC00, v30;
	v13 =	vor.u32 v27, v13  }
0x270: {  	v43 =	vshll.u32 v33, $0x3;
	v35 =	vand.u32 $0xFFFFFC00, v32;
	v16 =	vor.u32 v18, v16  }
0x271: {  	v40 =	vld [tilespmem:s14+$0x438];
	v17 =	vand.u32 $0xFFFFFC00, v28;
	v14 =	vshll.u32 v26, $0x3;
	v18 =	vor.u32 v34, v35;
	[tilespmem:v10+s15+$0x0] =	vst.idx.msk $0xffff, v1  }
0x272: {  	v15 =	vor.u32 v15, v17;
	v10 =	vand.u32 $0x7F, v26;
	[tilespmem:v11+s15+$0x0] =	vst.idx.msk $0xffff, v1;
	v11 =	vand.u32 $0xFFFFFC00, v14  }
0x273: {  	v45 =	vand.u32 $0x7F, v33;
	v17 =	vand.u32 $0xFFFFFC00, v43;
	[tilespmem:v12+s15+$0x0] =	vst.idx.msk $0xffff, v1;
	v10 =	vor.u32 v10, v11  }
0x274: {  	v47 =	vshll.u32 v37, $0x3;
	v44 =	vand.u32 $0xFFFFFC00, v42;
	v46 =	vor.u32 v45, v17;
	[tilespmem:v13+s15+$0x0] =	vst.idx.msk $0xffff, v1  }
0x275: {  	v48 =	vand.u32 $0x7F, v37;
	v39 =	vand.u32 $0xFFFFFC00, v36;
	v12 =	vor.u32 v41, v44;
	[tilespmem:v16+s15+$0x0] =	vst.idx.msk $0xffff, v1  }
0x276: {  	v49 =	vshll.u32 v40, $0x3;
	v14 =	vand.u32 $0xFFFFFC00, v47;
	[tilespmem:v18+s15+$0x0] =	vst.idx.msk $0xffff, v1;
	v11 =	vor.u32 v38, v39  }
0x277: {  	v50 =	vand.u32 $0x7F, v40;
	v16 =	vand.u32 $0xFFFFFC00, v49;
	[tilespmem:v15+s15+$0x0] =	vst.idx.msk $0xffff, v1;
	v14 =	vor.u32 v48, v14  }
0x278: {  	[tilespmem:v10+s15+$0x0] =	vst.idx.msk $0xffff, v1;
	v10 =	vor.u32 v50, v16  }
0x279: {  	[tilespmem:v46+s15+$0x0] =	vst.idx.msk $0xffff, v1  }
0x27a: {  	[tilespmem:v12+s15+$0x0] =	vst.idx.msk $0xffff, v1  }
0x27b: {  	[tilespmem:v11+s15+$0x0] =	vst.idx.msk $0xffff, v1  }
0x27c: {  	[tilespmem:v14+s15+$0x0] =	vst.idx.msk $0xffff, v1  }
0x27d: {  	[tilespmem:v10+s15+$0x0] =	vst.idx.msk $0xffff, v1  }
0x27e: {  	v10 =	vld [tilespmem:s14+$0x80]  }
0x27f: {  	v11 =	vld [tilespmem:s14+$0x90]  }
0x280: {  	v12 =	vld [tilespmem:s14+$0xA0]  }
0x281: {  	v14 =	vld [tilespmem:s14+$0xB0]  }
0x282: {  	v52 =	vld [tilespmem:s14+$0xC0]  }
0x283: {  	v56 =	vld [tilespmem:s14+$0xD0]  }
0x284: {  	v57 =	vld [tilespmem:s14+$0xE0]  }
0x285: {  	v60 =	vld [tilespmem:s14+$0xF0]  }
0x286: {  	v61 =	vld [tilespmem:s14+$0x480]  }
0x287: {  	v24 =	vld [tilespmem:s14+$0x490]  }
0x288: {  	v26 =	vld [tilespmem:s14+$0x4A0];
	v51 =	vshll.u32 v10, $0x3;
	v10 =	vand.u32 $0x7F, v10  }
0x289: {  	v30 =	vld [tilespmem:s14+$0x4B0];
	v53 =	vshll.u32 v11, $0x3;
	v11 =	vand.u32 $0x7F, v11;
	v54 =	vshll.u32 v12, $0x3  }
0x28a: {  	v31 =	vld [tilespmem:s14+$0x4B8];
	v12 =	vand.u32 $0x7F, v12;
	v58 =	vand.u32 $0x7F, v14;
	v14 =	vshll.u32 v14, $0x3  }
0x28b: {  	v59 =	vshll.u32 v52, $0x3;
	v15 =	vand.u32 $0x7F, v52;
	v62 =	vshll.u32 v56, $0x3  }
0x28c: {  	v16 =	vand.u32 $0x7F, v56;
	v63 =	vshll.u32 v57, $0x3;
	v27 =	vshll.u32 v60, $0x3  }
0x28d: {  	v19 =	vand.u32 $0x7F, v60;
	v28 =	vshll.u32 v61, $0x3;
	v17 =	vand.u32 $0x7F, v61  }
0x28e: {  	v21 =	vshll.u32 v24, $0x3;
	v32 =	vshll.u32 v26, $0x3;
	v20 =	vand.u32 $0x7F, v26  }
0x28f: {  	v35 =	vshll.u32 v30, $0x3;
	v36 =	vand.u32 $0x7F, v30;
	v37 =	vshll.u32 v31, $0x3  }
0x290: {  	v38 =	vand.u32 $0x7F, v31;
	v13 =	vand.u32 $0xFFFFFC00, v51;
	v55 =	vand.u32 $0xFFFFFC00, v54  }
0x291: {  	v14 =	vand.u32 $0xFFFFFC00, v14;
	v18 =	vand.u32 $0xFFFFFC00, v59;
	v10 =	vor.u32 v13, v10  }
0x292: {  	v25 =	vand.u32 $0xFFFFFC00, v63;
	v12 =	vor.u32 v55, v12;
	v10 =	vor.u32 $0x80, v10  }
0x293: {  	v29 =	vand.u32 $0xFFFFFC00, v28;
	v14 =	vor.u32 v14, v58;
	v12 =	vor.u32 $0x80, v12  }
0x294: {  	v13 =	vand.u32 $0xFFFFFC00, v53;
	v15 =	vor.u32 v18, v15;
	v14 =	vor.u32 $0x80, v14  }
0x295: {  	v39 =	vand.u32 $0xFFFFFC00, v37;
	v11 =	vor.u32 v13, v11;
	v15 =	vor.u32 $0x80, v15  }
0x296: {  	v18 =	vand.u32 $0xFFFFFC00, v62;
	v17 =	vor.u32 v29, v17;
	v11 =	vor.u32 $0x80, v11  }
0x297: {  	v16 =	vor.u32 v18, v16;
	v13 =	vand.u32 $0x7F, v57;
	v34 =	vor.u32 $0x80, v17;
	[tilespmem:v10+s15+$0x0] =	vst.idx.msk $0xffff, v1  }
0x298: {  	v18 =	vand.u32 $0xFFFFFC00, v27;
	v16 =	vor.u32 $0x80, v16;
	v13 =	vor.u32 v25, v13;
	[tilespmem:v12+s15+$0x0] =	vst.idx.msk $0xffff, v1  }
0x299: {  	v18 =	vor.u32 v18, v19;
	v13 =	vor.u32 $0x80, v13;
	[tilespmem:v14+s15+$0x0] =	vst.idx.msk $0xffff, v1;
	v14 =	vand.u32 $0xFFFFFC00, v35  }
0x29a: {  	v41 =	vor.u32 v39, v38;
	v18 =	vor.u32 $0x80, v18;
	[tilespmem:v15+s15+$0x0] =	vst.idx.msk $0xffff, v1;
	v14 =	vor.u32 v14, v36  }
0x29b: {  	v10 =	vand.u32 $0x7F, v24;
	[tilespmem:v11+s15+$0x0] =	vst.idx.msk $0xffff, v1;
	v11 =	vand.u32 $0xFFFFFC00, v21;
	v40 =	vor.u32 $0x80, v14  }
0x29c: {  	v33 =	vand.u32 $0xFFFFFC00, v32;
	[tilespmem:v34+s15+$0x0] =	vst.idx.msk $0xffff, v1;
	v10 =	vor.u32 v11, v10;
	v14 =	vor.u32 $0x80, v41  }
0x29d: {  	[tilespmem:v16+s15+$0x0] =	vst.idx.msk $0xffff, v1;
	v11 =	vor.u32 v33, v20;
	v10 =	vor.u32 $0x80, v10  }
0x29e: {  	[tilespmem:v13+s15+$0x0] =	vst.idx.msk $0xffff, v1;
	v11 =	vor.u32 $0x80, v11  }
0x29f: {  	[tilespmem:v18+s15+$0x0] =	vst.idx.msk $0xffff, v1  }
0x2a0: {  	[tilespmem:v40+s15+$0x0] =	vst.idx.msk $0xffff, v1  }
0x2a1: {  	[tilespmem:v14+s15+$0x0] =	vst.idx.msk $0xffff, v1  }
0x2a2: {  	[tilespmem:v10+s15+$0x0] =	vst.idx.msk $0xffff, v1  }
0x2a3: {  	[tilespmem:v11+s15+$0x0] =	vst.idx.msk $0xffff, v1  }
0x2a4: {  	v10 =	vld [tilespmem:s14+$0x100]  }
0x2a5: {  	v11 =	vld [tilespmem:s14+$0x110]  }
0x2a6: {  	v12 =	vld [tilespmem:s14+$0x120]  }
0x2a7: {  	v14 =	vld [tilespmem:s14+$0x130]  }
0x2a8: {  	v43 =	vld [tilespmem:s14+$0x140]  }
0x2a9: {  	v47 =	vld [tilespmem:s14+$0x150]  }
0x2aa: {  	v48 =	vld [tilespmem:s14+$0x160]  }
0x2ab: {  	v51 =	vld [tilespmem:s14+$0x170]  }
0x2ac: {  	v52 =	vld [tilespmem:s14+$0x500]  }
0x2ad: {  	v55 =	vld [tilespmem:s14+$0x510]  }
0x2ae: {  	v57 =	vld [tilespmem:s14+$0x520];
	v42 =	vshll.u32 v10, $0x3;
	v10 =	vand.u32 $0x7F, v10  }
0x2af: {  	v61 =	vld [tilespmem:s14+$0x530];
	v44 =	vshll.u32 v11, $0x3;
	v11 =	vand.u32 $0x7F, v11;
	v45 =	vshll.u32 v12, $0x3  }
0x2b0: {  	v62 =	vld [tilespmem:s14+$0x538];
	v12 =	vand.u32 $0x7F, v12;
	v49 =	vand.u32 $0x7F, v14;
	v14 =	vshll.u32 v14, $0x3  }
0x2b1: {  	v50 =	vshll.u32 v43, $0x3;
	v15 =	vand.u32 $0x7F, v43;
	v53 =	vshll.u32 v47, $0x3  }
0x2b2: {  	v16 =	vand.u32 $0x7F, v47;
	v54 =	vshll.u32 v48, $0x3;
	v58 =	vshll.u32 v51, $0x3  }
0x2b3: {  	v19 =	vand.u32 $0x7F, v51;
	v59 =	vshll.u32 v52, $0x3;
	v17 =	vand.u32 $0x7F, v52  }
0x2b4: {  	v21 =	vshll.u32 v55, $0x3;
	v63 =	vshll.u32 v57, $0x3;
	v20 =	vand.u32 $0x7F, v57  }
0x2b5: {  	v26 =	vshll.u32 v61, $0x3;
	v27 =	vand.u32 $0x7F, v61;
	v28 =	vshll.u32 v62, $0x3  }
0x2b6: {  	v29 =	vand.u32 $0x7F, v62;
	v13 =	vand.u32 $0xFFFFFC00, v42;
	v46 =	vand.u32 $0xFFFFFC00, v45  }
0x2b7: {  	v14 =	vand.u32 $0xFFFFFC00, v14;
	v18 =	vand.u32 $0xFFFFFC00, v50;
	v10 =	vor.u32 v13, v10  }
0x2b8: {  	v56 =	vand.u32 $0xFFFFFC00, v54;
	v12 =	vor.u32 v46, v12;
	v10 =	vor.u32 $0x100, v10  }
0x2b9: {  	v60 =	vand.u32 $0xFFFFFC00, v59;
	v14 =	vor.u32 v14, v49;
	v12 =	vor.u32 $0x100, v12  }
0x2ba: {  	v13 =	vand.u32 $0xFFFFFC00, v44;
	v15 =	vor.u32 v18, v15;
	v14 =	vor.u32 $0x100, v14  }
0x2bb: {  	v30 =	vand.u32 $0xFFFFFC00, v28;
	v11 =	vor.u32 v13, v11;
	v15 =	vor.u32 $0x100, v15  }
0x2bc: {  	v18 =	vand.u32 $0xFFFFFC00, v53;
	v17 =	vor.u32 v60, v17;
	v11 =	vor.u32 $0x100, v11  }
0x2bd: {  	v16 =	vor.u32 v18, v16;
	v13 =	vand.u32 $0x7F, v48;
	v25 =	vor.u32 $0x100, v17;
	[tilespmem:v10+s15+$0x0] =	vst.idx.msk $0xffff, v1  }
0x2be: {  	v18 =	vand.u32 $0xFFFFFC00, v58;
	v16 =	vor.u32 $0x100, v16;
	v13 =	vor.u32 v56, v13;
	[tilespmem:v12+s15+$0x0] =	vst.idx.msk $0xffff, v1  }
0x2bf: {  	v18 =	vor.u32 v18, v19;
	v13 =	vor.u32 $0x100, v13;
	[tilespmem:v14+s15+$0x0] =	vst.idx.msk $0xffff, v1;
	v14 =	vand.u32 $0xFFFFFC00, v26  }
0x2c0: {  	v32 =	vor.u32 v30, v29;
	v18 =	vor.u32 $0x100, v18;
	[tilespmem:v15+s15+$0x0] =	vst.idx.msk $0xffff, v1;
	v14 =	vor.u32 v14, v27  }
0x2c1: {  	v10 =	vand.u32 $0x7F, v55;
	[tilespmem:v11+s15+$0x0] =	vst.idx.msk $0xffff, v1;
	v11 =	vand.u32 $0xFFFFFC00, v21;
	v31 =	vor.u32 $0x100, v14  }
0x2c2: {  	v24 =	vand.u32 $0xFFFFFC00, v63;
	[tilespmem:v25+s15+$0x0] =	vst.idx.msk $0xffff, v1;
	v10 =	vor.u32 v11, v10;
	v14 =	vor.u32 $0x100, v32  }
0x2c3: {  	[tilespmem:v16+s15+$0x0] =	vst.idx.msk $0xffff, v1;
	v11 =	vor.u32 v24, v20;
	v10 =	vor.u32 $0x100, v10  }
0x2c4: {  	[tilespmem:v13+s15+$0x0] =	vst.idx.msk $0xffff, v1;
	v11 =	vor.u32 $0x100, v11  }
0x2c5: {  	[tilespmem:v18+s15+$0x0] =	vst.idx.msk $0xffff, v1  }
0x2c6: {  	[tilespmem:v31+s15+$0x0] =	vst.idx.msk $0xffff, v1  }
0x2c7: {  	[tilespmem:v14+s15+$0x0] =	vst.idx.msk $0xffff, v1  }
0x2c8: {  	[tilespmem:v10+s15+$0x0] =	vst.idx.msk $0xffff, v1  }
0x2c9: {  	[tilespmem:v11+s15+$0x0] =	vst.idx.msk $0xffff, v1  }
0x2ca: {  	v10 =	vld [tilespmem:s14+$0x180]  }
0x2cb: {  	v11 =	vld [tilespmem:s14+$0x190]  }
0x2cc: {  	v12 =	vld [tilespmem:s14+$0x1A0]  }
0x2cd: {  	v13 =	vld [tilespmem:s14+$0x1B0]  }
0x2ce: {  	v35 =	vld [tilespmem:s14+$0x1C0]  }
0x2cf: {  	v36 =	vld [tilespmem:s14+$0x1D0]  }
0x2d0: {  	v18 =	vld [tilespmem:s14+$0x1E0]  }
0x2d1: {  	v40 =	vld [tilespmem:s14+$0x1F0]  }
0x2d2: {  	v43 =	vld [tilespmem:s14+$0x580]  }
0x2d3: {  	v45 =	vld [tilespmem:s14+$0x590];
	v33 =	vand.u32 $0x7F, v10;
	v10 =	vshll.u32 v10, $0x3  }
0x2d4: {  	v48 =	vld [tilespmem:s14+$0x5A0];
	v34 =	vshll.u32 v11, $0x3;
	v11 =	vand.u32 $0x7F, v11;
	v37 =	vshll.u32 v12, $0x3  }
0x2d5: {  	v50 =	vld [tilespmem:s14+$0x5B0];
	v12 =	vand.u32 $0x7F, v12;
	v38 =	vshll.u32 v13, $0x3;
	v13 =	vand.u32 $0x7F, v13  }
0x2d6: {  	v41 =	vshll.u32 v35, $0x3;
	v16 =	vand.u32 $0x7F, v35;
	v42 =	vshll.u32 v36, $0x3  }
0x2d7: {  	v14 =	vand.u32 $0x7F, v36;
	v46 =	vand.u32 $0x7F, v18;
	v18 =	vshll.u32 v18, $0x3  }
0x2d8: {  	v47 =	vshll.u32 v40, $0x3;
	v17 =	vand.u32 $0x7F, v40;
	v49 =	vshll.u32 v43, $0x3  }
0x2d9: {  	v20 =	vand.u32 $0x7F, v43;
	v51 =	vshll.u32 v45, $0x3;
	v19 =	vand.u32 $0x7F, v45  }
0x2da: {  	v55 =	vshll.u32 v48, $0x3;
	v56 =	vand.u32 $0x7F, v48;
	v58 =	vshll.u32 v50, $0x3  }
0x2db: {  	v60 =	vand.u32 $0x7F, v50;
	v10 =	vand.u32 $0xFFFFFC00, v10;
	v15 =	vand.u32 $0xFFFFFC00, v34  }
0x2dc: {  	v39 =	vand.u32 $0xFFFFFC00, v38;
	v21 =	vand.u32 $0xFFFFFC00, v47;
	v10 =	vor.u32 v10, v33  }
0x2dd: {  	v53 =	vld [tilespmem:s14+$0x5B8];
	v11 =	vor.u32 v15, v11;
	v15 =	vand.u32 $0xFFFFFC00, v37;
	v10 =	vor.u32 $0x180, v10  }
0x2de: {  	v13 =	vor.u32 v39, v13;
	v17 =	vor.u32 v21, v17;
	v11 =	vor.u32 $0x180, v11  }
0x2df: {  	v12 =	vor.u32 v15, v12;
	v15 =	vand.u32 $0xFFFFFC00, v41;
	v13 =	vor.u32 $0x180, v13  }
0x2e0: {  	v44 =	vand.u32 $0xFFFFFC00, v42;
	v57 =	vor.u32 $0x180, v17;
	v15 =	vor.u32 v15, v16  }
0x2e1: {  	v18 =	vand.u32 $0xFFFFFC00, v18;
	v14 =	vor.u32 v44, v14;
	v15 =	vor.u32 $0x180, v15  }
0x2e2: {  	v62 =	vshll.u32 v53, $0x3;
	v16 =	vor.u32 v18, v46;
	[tilespmem:v10+s15+$0x0] =	vst.idx.msk $0xffff, v1;
	v10 =	vor.u32 $0x180, v14  }
0x2e3: {  	v63 =	vand.u32 $0x7F, v53;
	v18 =	vand.u32 $0xFFFFFC00, v49;
	[tilespmem:v11+s15+$0x0] =	vst.idx.msk $0xffff, v1;
	v11 =	vor.u32 $0x180, v16  }
0x2e4: {  	v52 =	vand.u32 $0xFFFFFC00, v51;
	v12 =	vor.u32 $0x180, v12;
	v18 =	vor.u32 v18, v20;
	[tilespmem:v13+s15+$0x0] =	vst.idx.msk $0xffff, v1  }
0x2e5: {  	v54 =	vor.u32 v52, v19;
	v17 =	vand.u32 $0xFFFFFC00, v58;
	v59 =	vor.u32 $0x180, v18;
	[tilespmem:v57+s15+$0x0] =	vst.idx.msk $0xffff, v1  }
0x2e6: {  	v19 =	vand.u32 $0xFFFFFC00, v55;
	v61 =	vor.u32 v17, v60;
	v14 =	vor.u32 $0x180, v54;
	[tilespmem:v15+s15+$0x0] =	vst.idx.msk $0xffff, v1  }
0x2e7: {  	v17 =	vand.u32 $0xFFFFFC00, v62;
	v16 =	vor.u32 v19, v56;
	v15 =	vor.u32 $0x180, v61;
	[tilespmem:v10+s15+$0x0] =	vst.idx.msk $0xffff, v1  }
0x2e8: {  	v10 =	vor.u32 $0x180, v16;
	[tilespmem:v11+s15+$0x0] =	vst.idx.msk $0xffff, v1;
	v11 =	vor.u32 v17, v63  }
0x2e9: {  	[tilespmem:v12+s15+$0x0] =	vst.idx.msk $0xffff, v1;
	v11 =	vor.u32 $0x180, v11  }
0x2ea: {  	[tilespmem:v59+s15+$0x0] =	vst.idx.msk $0xffff, v1  }
0x2eb: {  	[tilespmem:v14+s15+$0x0] =	vst.idx.msk $0xffff, v1  }
0x2ec: {  	[tilespmem:v15+s15+$0x0] =	vst.idx.msk $0xffff, v1  }
0x2ed: {  	[tilespmem:v10+s15+$0x0] =	vst.idx.msk $0xffff, v1  }
0x2ee: {  	[tilespmem:v11+s15+$0x0] =	vst.idx.msk $0xffff, v1  }
0x2ef: {  	s16 =	sadd.s32 s7, s13;
	[tilespmem:v5+s15+$0x0] =	vst.idx.msk $0x1, v0  }
0x2f0: {  	s16 =	sshll.u32 s16, $0xD;
	[tilespmem:v2+s15+$0x0] =	vst.idx.msk $0x1, v0  }
0x2f1: {  	s16 =	sadd.s32 s2, s16;
	[tilespmem:v3+s15+$0x0] =	vst.idx.msk $0x1, v0  }
0x2f2: {  	s17 =	simm.s32 $0x80;
	s18 =	simm.s32 $0x8400;
	s19 =	sadd.s32 $0x0, s16;
	[tilespmem:v4+s15+$0x0] =	vst.idx.msk $0x1, v0  }
.LBB2_11:
0x2f3: {  	[hbm4b:s19+s3] =	stream.linear.scatter [tilespmem:s15], [sflag:$0x1], $0x200, $0x38;
	[tilespmem:$0x18000] =	vst v63  }
0x2f4: {  	s19 =	smov.u32 s17;
	s15 =	smov.u32 s18;
	p0 =	sne.s32 s17, $0x1F80  }
.Ltmp4:
0x2f5: {  	s17 =	sadd.s32 $0x80, s17;
	(pc) =	sbr.rel @p0 .LBB2_11-.Ltmp4, $2  }
0x2f6: {  	_ =	sdelay $0x2  }
0x2f7: {  	s18 =	sadd.s32 $0x400, s18;
	s19 =	sadd.s32 s19, s16  }
0x2f8: {  	[hbm4b:s19+s3] =	stream.linear.scatter [tilespmem:s15], [sflag:$0x1], $0x200, $0x38;
	[tilespmem:$0x18000] =	vst v63  }
0x2f9: {  	_ =	swait.ge [sflag:s9], $0x8000  }
0x2fa: {  	s30 =	sadd.s32 $0xFFFFFC00, s14;
	[sflag:s9] =	ssyncset.done $0x0  }
0x2fb: {  	s15 =	sand.u32 $0xFFFFF800, s30;
	[sflag:s9] =	ssyncadd.s32 $0xFFFF8000  }
0x2fc: {  	v10 =	vld [tilespmem:s15+$0x200]  }
0x2fd: {  	v11 =	vld [tilespmem:s15+$0x210]  }
0x2fe: {  	v12 =	vld [tilespmem:s15+$0x220]  }
0x2ff: {  	v14 =	vld [tilespmem:s15+$0x230]  }
0x300: {  	v15 =	vld [tilespmem:s15+$0x240]  }
0x301: {  	v34 =	vld [tilespmem:s15+$0x250]  }
0x302: {  	v35 =	vld [tilespmem:s15+$0x260]  }
0x303: {  	v19 =	vld [tilespmem:s15+$0x270]  }
0x304: {  	v36 =	vld [tilespmem:s14+$0xFFFFFE00]  }
0x305: {  	v39 =	vld [tilespmem:s14+$0xFFFFFE20]  }
0x306: {  	v42 =	vld [tilespmem:s14+$0xFFFFFE30];
	v13 =	vshll.u32 v10, $0x3;
	v10 =	vand.u32 $0x7F, v10  }
0x307: {  	v43 =	vld [tilespmem:s14+$0xFFFFFE38];
	v32 =	vshll.u32 v11, $0x3;
	v11 =	vand.u32 $0x7F, v11;
	v16 =	vshll.u32 v12, $0x3  }
0x308: {  	v12 =	vand.u32 $0x7F, v12;
	v17 =	vand.u32 $0x7F, v14;
	v14 =	vshll.u32 v14, $0x3  }
0x309: {  	v18 =	vshll.u32 v15, $0x3;
	v15 =	vand.u32 $0x7F, v15;
	v37 =	vshll.u32 v34, $0x3  }
0x30a: {  	v20 =	vshll.u32 v35, $0x3;
	v40 =	vshll.u32 v19, $0x3;
	v19 =	vand.u32 $0x7F, v19  }
0x30b: {  	v22 =	vshll.u32 v36, $0x3;
	v23 =	vshll.u32 v39, $0x3;
	v46 =	vshll.u32 v42, $0x3  }
0x30c: {  	v47 =	vand.u32 $0x7F, v42;
	v48 =	vshll.u32 v43, $0x3;
	v49 =	vand.u32 $0x7F, v43  }
0x30d: {  	v13 =	vand.u32 $0xFFFFFC00, v13;
	v33 =	vand.u32 $0xFFFFFC00, v16;
	v14 =	vand.u32 $0xFFFFFC00, v14  }
0x30e: {  	v18 =	vand.u32 $0xFFFFFC00, v18;
	v16 =	vand.u32 $0x7F, v34;
	v38 =	vand.u32 $0xFFFFFC00, v20  }
0x30f: {  	v41 =	vand.u32 $0xFFFFFC00, v22;
	v20 =	vand.u32 $0x7F, v39;
	v10 =	vor.u32 v13, v10  }
0x310: {  	v50 =	vand.u32 $0xFFFFFC00, v48;
	v12 =	vor.u32 v33, v12;
	v10 =	vor.u32 $0x200, v10  }
0x311: {  	v13 =	vand.u32 $0xFFFFFC00, v32;
	v14 =	vor.u32 v14, v17;
	v12 =	vor.u32 $0x200, v12  }
0x312: {  	v15 =	vor.u32 v18, v15;
	v18 =	vand.u32 $0xFFFFFC00, v37;
	v14 =	vor.u32 $0x200, v14  }
0x313: {  	v21 =	vld [tilespmem:s14+$0xFFFFFE10];
	v17 =	vand.u32 $0x7F, v36;
	v11 =	vor.u32 v13, v11;
	v15 =	vor.u32 $0x200, v15  }
0x314: {  	v16 =	vor.u32 v18, v16;
	v13 =	vand.u32 $0x7F, v35;
	v11 =	vor.u32 $0x200, v11  }
0x315: {  	v18 =	vand.u32 $0xFFFFFC00, v40;
	v17 =	vor.u32 v41, v17;
	v16 =	vor.u32 $0x200, v16;
	[tilespmem:v10+s10+$0x0] =	vst.idx.msk $0xffff, v0  }
0x316: {  	v13 =	vor.u32 v38, v13;
	v18 =	vor.u32 v18, v19;
	v45 =	vor.u32 $0x200, v17;
	[tilespmem:v12+s10+$0x0] =	vst.idx.msk $0xffff, v0  }
0x317: {  	v13 =	vor.u32 $0x200, v13;
	v18 =	vor.u32 $0x200, v18;
	[tilespmem:v14+s10+$0x0] =	vst.idx.msk $0xffff, v0;
	v14 =	vand.u32 $0xFFFFFC00, v46  }
0x318: {  	v10 =	vand.u32 $0x7F, v21;
	v21 =	vshll.u32 v21, $0x3;
	[tilespmem:v15+s10+$0x0] =	vst.idx.msk $0xffff, v0;
	v14 =	vor.u32 v14, v47  }
0x319: {  	v52 =	vor.u32 v50, v49;
	[tilespmem:v11+s10+$0x0] =	vst.idx.msk $0xffff, v0;
	v11 =	vand.u32 $0xFFFFFC00, v21;
	v51 =	vor.u32 $0x200, v14  }
0x31a: {  	v44 =	vand.u32 $0xFFFFFC00, v23;
	[tilespmem:v16+s10+$0x0] =	vst.idx.msk $0xffff, v0;
	v10 =	vor.u32 v11, v10;
	v14 =	vor.u32 $0x200, v52  }
0x31b: {  	[tilespmem:v45+s10+$0x0] =	vst.idx.msk $0xffff, v0;
	v11 =	vor.u32 v44, v20;
	v10 =	vor.u32 $0x200, v10  }
0x31c: {  	[tilespmem:v13+s10+$0x0] =	vst.idx.msk $0xffff, v0;
	v11 =	vor.u32 $0x200, v11  }
0x31d: {  	[tilespmem:v18+s10+$0x0] =	vst.idx.msk $0xffff, v0  }
0x31e: {  	[tilespmem:v51+s10+$0x0] =	vst.idx.msk $0xffff, v0  }
0x31f: {  	[tilespmem:v14+s10+$0x0] =	vst.idx.msk $0xffff, v0  }
0x320: {  	[tilespmem:v10+s10+$0x0] =	vst.idx.msk $0xffff, v0  }
0x321: {  	[tilespmem:v11+s10+$0x0] =	vst.idx.msk $0xffff, v0  }
0x322: {  	v10 =	vld [tilespmem:s14+$0xFFFFFA80]  }
0x323: {  	v11 =	vld [tilespmem:s14+$0xFFFFFA90]  }
0x324: {  	v12 =	vld [tilespmem:s14+$0xFFFFFAA0]  }
0x325: {  	v14 =	vld [tilespmem:s14+$0xFFFFFAB0]  }
0x326: {  	v54 =	vld [tilespmem:s14+$0xFFFFFAC0]  }
0x327: {  	v58 =	vld [tilespmem:s14+$0xFFFFFAD0]  }
0x328: {  	v59 =	vld [tilespmem:s14+$0xFFFFFAE0]  }
0x329: {  	v62 =	vld [tilespmem:s14+$0xFFFFFAF0]  }
0x32a: {  	v63 =	vld [tilespmem:s14+$0xFFFFFE80]  }
0x32b: {  	v26 =	vld [tilespmem:s14+$0xFFFFFE90]  }
0x32c: {  	v28 =	vld [tilespmem:s14+$0xFFFFFEA0];
	v53 =	vshll.u32 v10, $0x3;
	v10 =	vand.u32 $0x7F, v10  }
0x32d: {  	v32 =	vld [tilespmem:s14+$0xFFFFFEB0];
	v55 =	vshll.u32 v11, $0x3;
	v11 =	vand.u32 $0x7F, v11;
	v56 =	vshll.u32 v12, $0x3  }
0x32e: {  	v33 =	vld [tilespmem:s14+$0xFFFFFEB8];
	v12 =	vand.u32 $0x7F, v12;
	v60 =	vand.u32 $0x7F, v14;
	v14 =	vshll.u32 v14, $0x3  }
0x32f: {  	v61 =	vshll.u32 v54, $0x3;
	v15 =	vand.u32 $0x7F, v54;
	v24 =	vshll.u32 v58, $0x3  }
0x330: {  	v16 =	vand.u32 $0x7F, v58;
	v25 =	vshll.u32 v59, $0x3;
	v29 =	vshll.u32 v62, $0x3  }
0x331: {  	v19 =	vand.u32 $0x7F, v62;
	v30 =	vshll.u32 v63, $0x3;
	v17 =	vand.u32 $0x7F, v63  }
0x332: {  	v21 =	vshll.u32 v26, $0x3;
	v34 =	vshll.u32 v28, $0x3;
	v20 =	vand.u32 $0x7F, v28  }
0x333: {  	v37 =	vshll.u32 v32, $0x3;
	v38 =	vand.u32 $0x7F, v32;
	v39 =	vshll.u32 v33, $0x3  }
0x334: {  	v40 =	vand.u32 $0x7F, v33;
	v13 =	vand.u32 $0xFFFFFC00, v53;
	v57 =	vand.u32 $0xFFFFFC00, v56  }
0x335: {  	v14 =	vand.u32 $0xFFFFFC00, v14;
	v18 =	vand.u32 $0xFFFFFC00, v61;
	v10 =	vor.u32 v13, v10  }
0x336: {  	v27 =	vand.u32 $0xFFFFFC00, v25;
	v12 =	vor.u32 v57, v12;
	v10 =	vor.u32 $0x280, v10  }
0x337: {  	v31 =	vand.u32 $0xFFFFFC00, v30;
	v14 =	vor.u32 v14, v60;
	v12 =	vor.u32 $0x280, v12  }
0x338: {  	v13 =	vand.u32 $0xFFFFFC00, v55;
	v15 =	vor.u32 v18, v15;
	v14 =	vor.u32 $0x280, v14  }
0x339: {  	v41 =	vand.u32 $0xFFFFFC00, v39;
	v11 =	vor.u32 v13, v11;
	v15 =	vor.u32 $0x280, v15  }
0x33a: {  	v18 =	vand.u32 $0xFFFFFC00, v24;
	v17 =	vor.u32 v31, v17;
	v11 =	vor.u32 $0x280, v11  }
0x33b: {  	v16 =	vor.u32 v18, v16;
	v13 =	vand.u32 $0x7F, v59;
	v36 =	vor.u32 $0x280, v17;
	[tilespmem:v10+s10+$0x0] =	vst.idx.msk $0xffff, v0  }
0x33c: {  	v18 =	vand.u32 $0xFFFFFC00, v29;
	v16 =	vor.u32 $0x280, v16;
	v13 =	vor.u32 v27, v13;
	[tilespmem:v12+s10+$0x0] =	vst.idx.msk $0xffff, v0  }
0x33d: {  	v18 =	vor.u32 v18, v19;
	v13 =	vor.u32 $0x280, v13;
	[tilespmem:v14+s10+$0x0] =	vst.idx.msk $0xffff, v0;
	v14 =	vand.u32 $0xFFFFFC00, v37  }
0x33e: {  	v43 =	vor.u32 v41, v40;
	v18 =	vor.u32 $0x280, v18;
	[tilespmem:v15+s10+$0x0] =	vst.idx.msk $0xffff, v0;
	v14 =	vor.u32 v14, v38  }
0x33f: {  	v10 =	vand.u32 $0x7F, v26;
	[tilespmem:v11+s10+$0x0] =	vst.idx.msk $0xffff, v0;
	v11 =	vand.u32 $0xFFFFFC00, v21;
	v42 =	vor.u32 $0x280, v14  }
0x340: {  	v35 =	vand.u32 $0xFFFFFC00, v34;
	[tilespmem:v36+s10+$0x0] =	vst.idx.msk $0xffff, v0;
	v10 =	vor.u32 v11, v10;
	v14 =	vor.u32 $0x280, v43  }
0x341: {  	[tilespmem:v16+s10+$0x0] =	vst.idx.msk $0xffff, v0;
	v11 =	vor.u32 v35, v20;
	v10 =	vor.u32 $0x280, v10  }
0x342: {  	[tilespmem:v13+s10+$0x0] =	vst.idx.msk $0xffff, v0;
	v11 =	vor.u32 $0x280, v11  }
0x343: {  	[tilespmem:v18+s10+$0x0] =	vst.idx.msk $0xffff, v0  }
0x344: {  	[tilespmem:v42+s10+$0x0] =	vst.idx.msk $0xffff, v0  }
0x345: {  	[tilespmem:v14+s10+$0x0] =	vst.idx.msk $0xffff, v0  }
0x346: {  	[tilespmem:v10+s10+$0x0] =	vst.idx.msk $0xffff, v0  }
0x347: {  	[tilespmem:v11+s10+$0x0] =	vst.idx.msk $0xffff, v0  }
0x348: {  	v10 =	vld [tilespmem:s14+$0xFFFFFB00]  }
0x349: {  	v11 =	vld [tilespmem:s14+$0xFFFFFB10]  }
0x34a: {  	v12 =	vld [tilespmem:s14+$0xFFFFFB20]  }
0x34b: {  	v14 =	vld [tilespmem:s14+$0xFFFFFB30]  }
0x34c: {  	v45 =	vld [tilespmem:s14+$0xFFFFFB40]  }
0x34d: {  	v49 =	vld [tilespmem:s14+$0xFFFFFB50]  }
0x34e: {  	v50 =	vld [tilespmem:s14+$0xFFFFFB60]  }
0x34f: {  	v53 =	vld [tilespmem:s14+$0xFFFFFB70]  }
0x350: {  	v54 =	vld [tilespmem:s14+$0xFFFFFF00]  }
0x351: {  	v57 =	vld [tilespmem:s14+$0xFFFFFF10]  }
0x352: {  	v59 =	vld [tilespmem:s14+$0xFFFFFF20];
	v44 =	vshll.u32 v10, $0x3;
	v10 =	vand.u32 $0x7F, v10  }
0x353: {  	v63 =	vld [tilespmem:s14+$0xFFFFFF30];
	v46 =	vshll.u32 v11, $0x3;
	v11 =	vand.u32 $0x7F, v11;
	v47 =	vshll.u32 v12, $0x3  }
0x354: {  	v24 =	vld [tilespmem:s14+$0xFFFFFF38];
	v12 =	vand.u32 $0x7F, v12;
	v51 =	vand.u32 $0x7F, v14;
	v14 =	vshll.u32 v14, $0x3  }
0x355: {  	v52 =	vshll.u32 v45, $0x3;
	v15 =	vand.u32 $0x7F, v45;
	v55 =	vshll.u32 v49, $0x3  }
0x356: {  	v16 =	vand.u32 $0x7F, v49;
	v56 =	vshll.u32 v50, $0x3;
	v60 =	vshll.u32 v53, $0x3  }
0x357: {  	v19 =	vand.u32 $0x7F, v53;
	v61 =	vshll.u32 v54, $0x3;
	v17 =	vand.u32 $0x7F, v54  }
0x358: {  	v21 =	vshll.u32 v57, $0x3;
	v25 =	vshll.u32 v59, $0x3;
	v20 =	vand.u32 $0x7F, v59  }
0x359: {  	v28 =	vshll.u32 v63, $0x3;
	v29 =	vand.u32 $0x7F, v63;
	v30 =	vshll.u32 v24, $0x3  }
0x35a: {  	v31 =	vand.u32 $0x7F, v24;
	v13 =	vand.u32 $0xFFFFFC00, v44;
	v48 =	vand.u32 $0xFFFFFC00, v47  }
0x35b: {  	v14 =	vand.u32 $0xFFFFFC00, v14;
	v18 =	vand.u32 $0xFFFFFC00, v52;
	v10 =	vor.u32 v13, v10  }
0x35c: {  	v58 =	vand.u32 $0xFFFFFC00, v56;
	v12 =	vor.u32 v48, v12;
	v10 =	vor.u32 $0x300, v10  }
0x35d: {  	v62 =	vand.u32 $0xFFFFFC00, v61;
	v14 =	vor.u32 v14, v51;
	v12 =	vor.u32 $0x300, v12  }
0x35e: {  	v13 =	vand.u32 $0xFFFFFC00, v46;
	v15 =	vor.u32 v18, v15;
	v14 =	vor.u32 $0x300, v14  }
0x35f: {  	v32 =	vand.u32 $0xFFFFFC00, v30;
	v11 =	vor.u32 v13, v11;
	v15 =	vor.u32 $0x300, v15  }
0x360: {  	v18 =	vand.u32 $0xFFFFFC00, v55;
	v17 =	vor.u32 v62, v17;
	v11 =	vor.u32 $0x300, v11  }
0x361: {  	v16 =	vor.u32 v18, v16;
	v13 =	vand.u32 $0x7F, v50;
	v27 =	vor.u32 $0x300, v17;
	[tilespmem:v10+s10+$0x0] =	vst.idx.msk $0xffff, v0  }
0x362: {  	v18 =	vand.u32 $0xFFFFFC00, v60;
	v16 =	vor.u32 $0x300, v16;
	v13 =	vor.u32 v58, v13;
	[tilespmem:v12+s10+$0x0] =	vst.idx.msk $0xffff, v0  }
0x363: {  	v18 =	vor.u32 v18, v19;
	v13 =	vor.u32 $0x300, v13;
	[tilespmem:v14+s10+$0x0] =	vst.idx.msk $0xffff, v0;
	v14 =	vand.u32 $0xFFFFFC00, v28  }
0x364: {  	v34 =	vor.u32 v32, v31;
	v18 =	vor.u32 $0x300, v18;
	[tilespmem:v15+s10+$0x0] =	vst.idx.msk $0xffff, v0;
	v14 =	vor.u32 v14, v29  }
0x365: {  	v10 =	vand.u32 $0x7F, v57;
	[tilespmem:v11+s10+$0x0] =	vst.idx.msk $0xffff, v0;
	v11 =	vand.u32 $0xFFFFFC00, v21;
	v33 =	vor.u32 $0x300, v14  }
0x366: {  	v26 =	vand.u32 $0xFFFFFC00, v25;
	[tilespmem:v27+s10+$0x0] =	vst.idx.msk $0xffff, v0;
	v10 =	vor.u32 v11, v10;
	v14 =	vor.u32 $0x300, v34  }
0x367: {  	[tilespmem:v16+s10+$0x0] =	vst.idx.msk $0xffff, v0;
	v11 =	vor.u32 v26, v20;
	v10 =	vor.u32 $0x300, v10  }
0x368: {  	[tilespmem:v13+s10+$0x0] =	vst.idx.msk $0xffff, v0;
	v11 =	vor.u32 $0x300, v11  }
0x369: {  	[tilespmem:v18+s10+$0x0] =	vst.idx.msk $0xffff, v0  }
0x36a: {  	[tilespmem:v33+s10+$0x0] =	vst.idx.msk $0xffff, v0  }
0x36b: {  	[tilespmem:v14+s10+$0x0] =	vst.idx.msk $0xffff, v0  }
0x36c: {  	[tilespmem:v10+s10+$0x0] =	vst.idx.msk $0xffff, v0  }
0x36d: {  	[tilespmem:v11+s10+$0x0] =	vst.idx.msk $0xffff, v0  }
0x36e: {  	v10 =	vld [tilespmem:s14+$0xFFFFFB80]  }
0x36f: {  	v11 =	vld [tilespmem:s14+$0xFFFFFB90]  }
0x370: {  	v12 =	vld [tilespmem:s14+$0xFFFFFBA0]  }
0x371: {  	v14 =	vld [tilespmem:s14+$0xFFFFFBB0]  }
0x372: {  	v36 =	vld [tilespmem:s14+$0xFFFFFBC0]  }
0x373: {  	v40 =	vld [tilespmem:s14+$0xFFFFFBD0]  }
0x374: {  	v41 =	vld [tilespmem:s14+$0xFFFFFBE0]  }
0x375: {  	v44 =	vld [tilespmem:s14+$0xFFFFFBF0]  }
0x376: {  	v45 =	vld [tilespmem:s14+$0xFFFFFF80]  }
0x377: {  	v48 =	vld [tilespmem:s14+$0xFFFFFF90]  }
0x378: {  	v50 =	vld [tilespmem:s14+$0xFFFFFFA0];
	v35 =	vshll.u32 v10, $0x3;
	v10 =	vand.u32 $0x7F, v10  }
0x379: {  	v54 =	vld [tilespmem:s14+$0xFFFFFFB0];
	v37 =	vshll.u32 v11, $0x3;
	v11 =	vand.u32 $0x7F, v11;
	v38 =	vshll.u32 v12, $0x3  }
0x37a: {  	v55 =	vld [tilespmem:s14+$0xFFFFFFB8];
	v12 =	vand.u32 $0x7F, v12;
	v42 =	vand.u32 $0x7F, v14;
	v14 =	vshll.u32 v14, $0x3  }
0x37b: {  	v43 =	vshll.u32 v36, $0x3;
	v15 =	vand.u32 $0x7F, v36;
	v46 =	vshll.u32 v40, $0x3  }
0x37c: {  	v16 =	vand.u32 $0x7F, v40;
	v47 =	vshll.u32 v41, $0x3;
	v51 =	vshll.u32 v44, $0x3  }
0x37d: {  	v19 =	vand.u32 $0x7F, v44;
	v52 =	vshll.u32 v45, $0x3;
	v17 =	vand.u32 $0x7F, v45  }
0x37e: {  	v21 =	vshll.u32 v48, $0x3;
	v56 =	vshll.u32 v50, $0x3;
	v20 =	vand.u32 $0x7F, v50  }
0x37f: {  	v59 =	vshll.u32 v54, $0x3;
	v60 =	vand.u32 $0x7F, v54;
	v61 =	vshll.u32 v55, $0x3  }
0x380: {  	v62 =	vand.u32 $0x7F, v55;
	v13 =	vand.u32 $0xFFFFFC00, v35;
	v39 =	vand.u32 $0xFFFFFC00, v38  }
0x381: {  	v14 =	vand.u32 $0xFFFFFC00, v14;
	v18 =	vand.u32 $0xFFFFFC00, v43;
	v10 =	vor.u32 v13, v10  }
0x382: {  	v49 =	vand.u32 $0xFFFFFC00, v47;
	v12 =	vor.u32 v39, v12;
	v10 =	vor.u32 $0x380, v10  }
0x383: {  	v53 =	vand.u32 $0xFFFFFC00, v52;
	v14 =	vor.u32 v14, v42;
	v12 =	vor.u32 $0x380, v12  }
0x384: {  	v13 =	vand.u32 $0xFFFFFC00, v37;
	v15 =	vor.u32 v18, v15;
	v14 =	vor.u32 $0x380, v14  }
0x385: {  	v63 =	vand.u32 $0xFFFFFC00, v61;
	v11 =	vor.u32 v13, v11;
	v15 =	vor.u32 $0x380, v15  }
0x386: {  	v18 =	vand.u32 $0xFFFFFC00, v46;
	v17 =	vor.u32 v53, v17;
	v11 =	vor.u32 $0x380, v11  }
0x387: {  	v16 =	vor.u32 v18, v16;
	v13 =	vand.u32 $0x7F, v41;
	v58 =	vor.u32 $0x380, v17;
	[tilespmem:v10+s10+$0x0] =	vst.idx.msk $0xffff, v0  }
0x388: {  	v18 =	vand.u32 $0xFFFFFC00, v51;
	v16 =	vor.u32 $0x380, v16;
	v13 =	vor.u32 v49, v13;
	[tilespmem:v12+s10+$0x0] =	vst.idx.msk $0xffff, v0  }
0x389: {  	v18 =	vor.u32 v18, v19;
	v13 =	vor.u32 $0x380, v13;
	[tilespmem:v14+s10+$0x0] =	vst.idx.msk $0xffff, v0;
	v14 =	vand.u32 $0xFFFFFC00, v59  }
0x38a: {  	v19 =	vor.u32 v63, v62;
	v18 =	vor.u32 $0x380, v18;
	[tilespmem:v15+s10+$0x0] =	vst.idx.msk $0xffff, v0;
	v14 =	vor.u32 v14, v60  }
0x38b: {  	v10 =	vand.u32 $0x7F, v48;
	[tilespmem:v11+s10+$0x0] =	vst.idx.msk $0xffff, v0;
	v11 =	vand.u32 $0xFFFFFC00, v21;
	v17 =	vor.u32 $0x380, v14  }
0x38c: {  	v57 =	vand.u32 $0xFFFFFC00, v56;
	[tilespmem:v58+s10+$0x0] =	vst.idx.msk $0xffff, v0;
	v10 =	vor.u32 v11, v10;
	v14 =	vor.u32 $0x380, v19  }
0x38d: {  	[tilespmem:v16+s10+$0x0] =	vst.idx.msk $0xffff, v0;
	v11 =	vor.u32 v57, v20;
	v10 =	vor.u32 $0x380, v10  }
0x38e: {  	[tilespmem:v13+s10+$0x0] =	vst.idx.msk $0xffff, v0;
	v11 =	vor.u32 $0x380, v11  }
0x38f: {  	[tilespmem:v18+s10+$0x0] =	vst.idx.msk $0xffff, v0  }
0x390: {  	[tilespmem:v17+s10+$0x0] =	vst.idx.msk $0xffff, v0  }
0x391: {  	[tilespmem:v14+s10+$0x0] =	vst.idx.msk $0xffff, v0  }
0x392: {  	[tilespmem:v10+s10+$0x0] =	vst.idx.msk $0xffff, v0  }
0x393: {  	[tilespmem:v11+s10+$0x0] =	vst.idx.msk $0xffff, v0  }
0x394: {  	v10 =	vld [tilespmem:s14+$0x200]  }
0x395: {  	v11 =	vld [tilespmem:s14+$0x210]  }
0x396: {  	v12 =	vld [tilespmem:s14+$0x220]  }
0x397: {  	v14 =	vld [tilespmem:s14+$0x230]  }
0x398: {  	v21 =	vld [tilespmem:s14+$0x240]  }
0x399: {  	v25 =	vld [tilespmem:s14+$0x250]  }
0x39a: {  	v26 =	vld [tilespmem:s14+$0x260]  }
0x39b: {  	v29 =	vld [tilespmem:s14+$0x270]  }
0x39c: {  	v30 =	vld [tilespmem:s14+$0x600]  }
0x39d: {  	v33 =	vld [tilespmem:s14+$0x610]  }
0x39e: {  	v35 =	vld [tilespmem:s14+$0x620];
	v20 =	vshll.u32 v10, $0x3;
	v10 =	vand.u32 $0x7F, v10  }
0x39f: {  	v39 =	vld [tilespmem:s14+$0x630];
	v22 =	vshll.u32 v11, $0x3;
	v11 =	vand.u32 $0x7F, v11;
	v23 =	vshll.u32 v12, $0x3  }
0x3a0: {  	v40 =	vld [tilespmem:s14+$0x638];
	v12 =	vand.u32 $0x7F, v12;
	v27 =	vand.u32 $0x7F, v14;
	v14 =	vshll.u32 v14, $0x3  }
0x3a1: {  	v28 =	vshll.u32 v21, $0x3;
	v15 =	vand.u32 $0x7F, v21;
	v31 =	vshll.u32 v25, $0x3  }
0x3a2: {  	v16 =	vand.u32 $0x7F, v25;
	v32 =	vshll.u32 v26, $0x3;
	v36 =	vshll.u32 v29, $0x3  }
0x3a3: {  	v19 =	vand.u32 $0x7F, v29;
	v37 =	vshll.u32 v30, $0x3;
	v17 =	vand.u32 $0x7F, v30  }
0x3a4: {  	v21 =	vshll.u32 v33, $0x3;
	v41 =	vshll.u32 v35, $0x3;
	v44 =	vshll.u32 v39, $0x3  }
0x3a5: {  	v45 =	vand.u32 $0x7F, v39;
	v46 =	vshll.u32 v40, $0x3;
	v47 =	vand.u32 $0x7F, v40  }
0x3a6: {  	v13 =	vand.u32 $0xFFFFFC00, v20;
	v24 =	vand.u32 $0xFFFFFC00, v23;
	v14 =	vand.u32 $0xFFFFFC00, v14  }
0x3a7: {  	v18 =	vand.u32 $0xFFFFFC00, v28;
	v34 =	vand.u32 $0xFFFFFC00, v32;
	v10 =	vor.u32 v13, v10  }
0x3a8: {  	v38 =	vand.u32 $0xFFFFFC00, v37;
	v12 =	vor.u32 v24, v12;
	v10 =	vor.u32 $0x200, v10  }
0x3a9: {  	v20 =	vand.u32 $0x7F, v35;
	v14 =	vor.u32 v14, v27;
	v12 =	vor.u32 $0x200, v12  }
0x3aa: {  	v13 =	vand.u32 $0xFFFFFC00, v22;
	v15 =	vor.u32 v18, v15;
	v14 =	vor.u32 $0x200, v14  }
0x3ab: {  	v48 =	vand.u32 $0xFFFFFC00, v46;
	v11 =	vor.u32 v13, v11;
	v15 =	vor.u32 $0x200, v15  }
0x3ac: {  	v18 =	vand.u32 $0xFFFFFC00, v31;
	v17 =	vor.u32 v38, v17;
	v11 =	vor.u32 $0x200, v11  }
0x3ad: {  	v16 =	vor.u32 v18, v16;
	v13 =	vand.u32 $0x7F, v26;
	v43 =	vor.u32 $0x200, v17;
	[tilespmem:v10+s10+$0x0] =	vst.idx.msk $0xffff, v1  }
0x3ae: {  	v18 =	vand.u32 $0xFFFFFC00, v36;
	v16 =	vor.u32 $0x200, v16;
	v13 =	vor.u32 v34, v13;
	[tilespmem:v12+s10+$0x0] =	vst.idx.msk $0xffff, v1  }
0x3af: {  	v18 =	vor.u32 v18, v19;
	v13 =	vor.u32 $0x200, v13;
	[tilespmem:v14+s10+$0x0] =	vst.idx.msk $0xffff, v1;
	v14 =	vand.u32 $0xFFFFFC00, v44  }
0x3b0: {  	v50 =	vor.u32 v48, v47;
	v18 =	vor.u32 $0x200, v18;
	[tilespmem:v15+s10+$0x0] =	vst.idx.msk $0xffff, v1;
	v14 =	vor.u32 v14, v45  }
0x3b1: {  	v10 =	vand.u32 $0x7F, v33;
	[tilespmem:v11+s10+$0x0] =	vst.idx.msk $0xffff, v1;
	v11 =	vand.u32 $0xFFFFFC00, v21;
	v49 =	vor.u32 $0x200, v14  }
0x3b2: {  	v42 =	vand.u32 $0xFFFFFC00, v41;
	[tilespmem:v43+s10+$0x0] =	vst.idx.msk $0xffff, v1;
	v10 =	vor.u32 v11, v10;
	v14 =	vor.u32 $0x200, v50  }
0x3b3: {  	[tilespmem:v16+s10+$0x0] =	vst.idx.msk $0xffff, v1;
	v11 =	vor.u32 v42, v20;
	v10 =	vor.u32 $0x200, v10  }
0x3b4: {  	[tilespmem:v13+s10+$0x0] =	vst.idx.msk $0xffff, v1;
	v11 =	vor.u32 $0x200, v11  }
0x3b5: {  	[tilespmem:v18+s10+$0x0] =	vst.idx.msk $0xffff, v1  }
0x3b6: {  	[tilespmem:v49+s10+$0x0] =	vst.idx.msk $0xffff, v1  }
0x3b7: {  	[tilespmem:v14+s10+$0x0] =	vst.idx.msk $0xffff, v1  }
0x3b8: {  	[tilespmem:v10+s10+$0x0] =	vst.idx.msk $0xffff, v1  }
0x3b9: {  	[tilespmem:v11+s10+$0x0] =	vst.idx.msk $0xffff, v1  }
0x3ba: {  	v10 =	vld [tilespmem:s14+$0x280]  }
0x3bb: {  	v11 =	vld [tilespmem:s14+$0x290]  }
0x3bc: {  	v12 =	vld [tilespmem:s14+$0x2A0]  }
0x3bd: {  	v14 =	vld [tilespmem:s14+$0x2B0]  }
0x3be: {  	v52 =	vld [tilespmem:s14+$0x2C0]  }
0x3bf: {  	v56 =	vld [tilespmem:s14+$0x2D0]  }
0x3c0: {  	v57 =	vld [tilespmem:s14+$0x2E0]  }
0x3c1: {  	v60 =	vld [tilespmem:s14+$0x2F0]  }
0x3c2: {  	v61 =	vld [tilespmem:s14+$0x680]  }
0x3c3: {  	v24 =	vld [tilespmem:s14+$0x690]  }
0x3c4: {  	v26 =	vld [tilespmem:s14+$0x6A0];
	v51 =	vshll.u32 v10, $0x3;
	v10 =	vand.u32 $0x7F, v10  }
0x3c5: {  	v30 =	vld [tilespmem:s14+$0x6B0];
	v53 =	vshll.u32 v11, $0x3;
	v11 =	vand.u32 $0x7F, v11;
	v54 =	vshll.u32 v12, $0x3  }
0x3c6: {  	v31 =	vld [tilespmem:s14+$0x6B8];
	v12 =	vand.u32 $0x7F, v12;
	v58 =	vand.u32 $0x7F, v14;
	v14 =	vshll.u32 v14, $0x3  }
0x3c7: {  	v59 =	vshll.u32 v52, $0x3;
	v15 =	vand.u32 $0x7F, v52;
	v62 =	vshll.u32 v56, $0x3  }
0x3c8: {  	v16 =	vand.u32 $0x7F, v56;
	v63 =	vshll.u32 v57, $0x3;
	v27 =	vshll.u32 v60, $0x3  }
0x3c9: {  	v19 =	vand.u32 $0x7F, v60;
	v28 =	vshll.u32 v61, $0x3;
	v17 =	vand.u32 $0x7F, v61  }
0x3ca: {  	v21 =	vshll.u32 v24, $0x3;
	v32 =	vshll.u32 v26, $0x3;
	v20 =	vand.u32 $0x7F, v26  }
0x3cb: {  	v35 =	vshll.u32 v30, $0x3;
	v36 =	vand.u32 $0x7F, v30;
	v37 =	vshll.u32 v31, $0x3  }
0x3cc: {  	v38 =	vand.u32 $0x7F, v31;
	v13 =	vand.u32 $0xFFFFFC00, v51;
	v55 =	vand.u32 $0xFFFFFC00, v54  }
0x3cd: {  	v14 =	vand.u32 $0xFFFFFC00, v14;
	v18 =	vand.u32 $0xFFFFFC00, v59;
	v10 =	vor.u32 v13, v10  }
0x3ce: {  	v25 =	vand.u32 $0xFFFFFC00, v63;
	v12 =	vor.u32 v55, v12;
	v10 =	vor.u32 $0x280, v10  }
0x3cf: {  	v29 =	vand.u32 $0xFFFFFC00, v28;
	v14 =	vor.u32 v14, v58;
	v12 =	vor.u32 $0x280, v12  }
0x3d0: {  	v13 =	vand.u32 $0xFFFFFC00, v53;
	v15 =	vor.u32 v18, v15;
	v14 =	vor.u32 $0x280, v14  }
0x3d1: {  	v39 =	vand.u32 $0xFFFFFC00, v37;
	v11 =	vor.u32 v13, v11;
	v15 =	vor.u32 $0x280, v15  }
0x3d2: {  	v18 =	vand.u32 $0xFFFFFC00, v62;
	v17 =	vor.u32 v29, v17;
	v11 =	vor.u32 $0x280, v11  }
0x3d3: {  	v16 =	vor.u32 v18, v16;
	v13 =	vand.u32 $0x7F, v57;
	v34 =	vor.u32 $0x280, v17;
	[tilespmem:v10+s10+$0x0] =	vst.idx.msk $0xffff, v1  }
0x3d4: {  	v18 =	vand.u32 $0xFFFFFC00, v27;
	v16 =	vor.u32 $0x280, v16;
	v13 =	vor.u32 v25, v13;
	[tilespmem:v12+s10+$0x0] =	vst.idx.msk $0xffff, v1  }
0x3d5: {  	v18 =	vor.u32 v18, v19;
	v13 =	vor.u32 $0x280, v13;
	[tilespmem:v14+s10+$0x0] =	vst.idx.msk $0xffff, v1;
	v14 =	vand.u32 $0xFFFFFC00, v35  }
0x3d6: {  	v41 =	vor.u32 v39, v38;
	v18 =	vor.u32 $0x280, v18;
	[tilespmem:v15+s10+$0x0] =	vst.idx.msk $0xffff, v1;
	v14 =	vor.u32 v14, v36  }
0x3d7: {  	v10 =	vand.u32 $0x7F, v24;
	[tilespmem:v11+s10+$0x0] =	vst.idx.msk $0xffff, v1;
	v11 =	vand.u32 $0xFFFFFC00, v21;
	v40 =	vor.u32 $0x280, v14  }
0x3d8: {  	v33 =	vand.u32 $0xFFFFFC00, v32;
	[tilespmem:v34+s10+$0x0] =	vst.idx.msk $0xffff, v1;
	v10 =	vor.u32 v11, v10;
	v14 =	vor.u32 $0x280, v41  }
0x3d9: {  	[tilespmem:v16+s10+$0x0] =	vst.idx.msk $0xffff, v1;
	v11 =	vor.u32 v33, v20;
	v10 =	vor.u32 $0x280, v10  }
0x3da: {  	[tilespmem:v13+s10+$0x0] =	vst.idx.msk $0xffff, v1;
	v11 =	vor.u32 $0x280, v11  }
0x3db: {  	[tilespmem:v18+s10+$0x0] =	vst.idx.msk $0xffff, v1  }
0x3dc: {  	[tilespmem:v40+s10+$0x0] =	vst.idx.msk $0xffff, v1  }
0x3dd: {  	[tilespmem:v14+s10+$0x0] =	vst.idx.msk $0xffff, v1  }
0x3de: {  	[tilespmem:v10+s10+$0x0] =	vst.idx.msk $0xffff, v1  }
0x3df: {  	[tilespmem:v11+s10+$0x0] =	vst.idx.msk $0xffff, v1  }
0x3e0: {  	v10 =	vld [tilespmem:s14+$0x300]  }
0x3e1: {  	v11 =	vld [tilespmem:s14+$0x310]  }
0x3e2: {  	v12 =	vld [tilespmem:s14+$0x320]  }
0x3e3: {  	v14 =	vld [tilespmem:s14+$0x330]  }
0x3e4: {  	v43 =	vld [tilespmem:s14+$0x340]  }
0x3e5: {  	v47 =	vld [tilespmem:s14+$0x350]  }
0x3e6: {  	v48 =	vld [tilespmem:s14+$0x360]  }
0x3e7: {  	v51 =	vld [tilespmem:s14+$0x370]  }
0x3e8: {  	v52 =	vld [tilespmem:s14+$0x700]  }
0x3e9: {  	v55 =	vld [tilespmem:s14+$0x710]  }
0x3ea: {  	v57 =	vld [tilespmem:s14+$0x720];
	v42 =	vshll.u32 v10, $0x3;
	v10 =	vand.u32 $0x7F, v10  }
0x3eb: {  	v61 =	vld [tilespmem:s14+$0x730];
	v44 =	vshll.u32 v11, $0x3;
	v11 =	vand.u32 $0x7F, v11;
	v45 =	vshll.u32 v12, $0x3  }
0x3ec: {  	v62 =	vld [tilespmem:s14+$0x738];
	v12 =	vand.u32 $0x7F, v12;
	v49 =	vand.u32 $0x7F, v14;
	v14 =	vshll.u32 v14, $0x3  }
0x3ed: {  	v50 =	vshll.u32 v43, $0x3;
	v15 =	vand.u32 $0x7F, v43;
	v53 =	vshll.u32 v47, $0x3  }
0x3ee: {  	v16 =	vand.u32 $0x7F, v47;
	v54 =	vshll.u32 v48, $0x3;
	v58 =	vshll.u32 v51, $0x3  }
0x3ef: {  	v19 =	vand.u32 $0x7F, v51;
	v59 =	vshll.u32 v52, $0x3;
	v17 =	vand.u32 $0x7F, v52  }
0x3f0: {  	v21 =	vshll.u32 v55, $0x3;
	v63 =	vshll.u32 v57, $0x3;
	v20 =	vand.u32 $0x7F, v57  }
0x3f1: {  	v26 =	vshll.u32 v61, $0x3;
	v27 =	vand.u32 $0x7F, v61;
	v28 =	vshll.u32 v62, $0x3  }
0x3f2: {  	v29 =	vand.u32 $0x7F, v62;
	v13 =	vand.u32 $0xFFFFFC00, v42;
	v46 =	vand.u32 $0xFFFFFC00, v45  }
0x3f3: {  	v14 =	vand.u32 $0xFFFFFC00, v14;
	v18 =	vand.u32 $0xFFFFFC00, v50;
	v10 =	vor.u32 v13, v10  }
0x3f4: {  	v56 =	vand.u32 $0xFFFFFC00, v54;
	v12 =	vor.u32 v46, v12;
	v10 =	vor.u32 $0x300, v10  }
0x3f5: {  	v60 =	vand.u32 $0xFFFFFC00, v59;
	v14 =	vor.u32 v14, v49;
	v12 =	vor.u32 $0x300, v12  }
0x3f6: {  	v13 =	vand.u32 $0xFFFFFC00, v44;
	v15 =	vor.u32 v18, v15;
	v14 =	vor.u32 $0x300, v14  }
0x3f7: {  	v30 =	vand.u32 $0xFFFFFC00, v28;
	v11 =	vor.u32 v13, v11;
	v15 =	vor.u32 $0x300, v15  }
0x3f8: {  	v18 =	vand.u32 $0xFFFFFC00, v53;
	v17 =	vor.u32 v60, v17;
	v11 =	vor.u32 $0x300, v11  }
0x3f9: {  	v16 =	vor.u32 v18, v16;
	v13 =	vand.u32 $0x7F, v48;
	v25 =	vor.u32 $0x300, v17;
	[tilespmem:v10+s10+$0x0] =	vst.idx.msk $0xffff, v1  }
0x3fa: {  	v18 =	vand.u32 $0xFFFFFC00, v58;
	v16 =	vor.u32 $0x300, v16;
	v13 =	vor.u32 v56, v13;
	[tilespmem:v12+s10+$0x0] =	vst.idx.msk $0xffff, v1  }
0x3fb: {  	v18 =	vor.u32 v18, v19;
	v13 =	vor.u32 $0x300, v13;
	[tilespmem:v14+s10+$0x0] =	vst.idx.msk $0xffff, v1;
	v14 =	vand.u32 $0xFFFFFC00, v26  }
0x3fc: {  	v32 =	vor.u32 v30, v29;
	v18 =	vor.u32 $0x300, v18;
	[tilespmem:v15+s10+$0x0] =	vst.idx.msk $0xffff, v1;
	v14 =	vor.u32 v14, v27  }
0x3fd: {  	v10 =	vand.u32 $0x7F, v55;
	[tilespmem:v11+s10+$0x0] =	vst.idx.msk $0xffff, v1;
	v11 =	vand.u32 $0xFFFFFC00, v21;
	v31 =	vor.u32 $0x300, v14  }
0x3fe: {  	v24 =	vand.u32 $0xFFFFFC00, v63;
	[tilespmem:v25+s10+$0x0] =	vst.idx.msk $0xffff, v1;
	v10 =	vor.u32 v11, v10;
	v14 =	vor.u32 $0x300, v32  }
0x3ff: {  	[tilespmem:v16+s10+$0x0] =	vst.idx.msk $0xffff, v1;
	v11 =	vor.u32 v24, v20;
	v10 =	vor.u32 $0x300, v10  }
0x400: {  	[tilespmem:v13+s10+$0x0] =	vst.idx.msk $0xffff, v1;
	v11 =	vor.u32 $0x300, v11  }
0x401: {  	[tilespmem:v18+s10+$0x0] =	vst.idx.msk $0xffff, v1  }
0x402: {  	[tilespmem:v31+s10+$0x0] =	vst.idx.msk $0xffff, v1  }
0x403: {  	[tilespmem:v14+s10+$0x0] =	vst.idx.msk $0xffff, v1  }
0x404: {  	[tilespmem:v10+s10+$0x0] =	vst.idx.msk $0xffff, v1  }
0x405: {  	[tilespmem:v11+s10+$0x0] =	vst.idx.msk $0xffff, v1  }
0x406: {  	v10 =	vld [tilespmem:s14+$0x380]  }
0x407: {  	v11 =	vld [tilespmem:s14+$0x390]  }
0x408: {  	v12 =	vld [tilespmem:s14+$0x3A0]  }
0x409: {  	v13 =	vld [tilespmem:s14+$0x3B0]  }
0x40a: {  	v35 =	vld [tilespmem:s14+$0x3C0]  }
0x40b: {  	v36 =	vld [tilespmem:s14+$0x3D0]  }
0x40c: {  	v18 =	vld [tilespmem:s14+$0x3E0]  }
0x40d: {  	v40 =	vld [tilespmem:s14+$0x3F0]  }
0x40e: {  	v43 =	vld [tilespmem:s14+$0x780]  }
0x40f: {  	v45 =	vld [tilespmem:s14+$0x790];
	v33 =	vand.u32 $0x7F, v10;
	v10 =	vshll.u32 v10, $0x3  }
0x410: {  	v48 =	vld [tilespmem:s14+$0x7A0];
	v34 =	vshll.u32 v11, $0x3;
	v11 =	vand.u32 $0x7F, v11;
	v37 =	vshll.u32 v12, $0x3  }
0x411: {  	v50 =	vld [tilespmem:s14+$0x7B0];
	v12 =	vand.u32 $0x7F, v12;
	v38 =	vshll.u32 v13, $0x3;
	v13 =	vand.u32 $0x7F, v13  }
0x412: {  	v41 =	vshll.u32 v35, $0x3;
	v16 =	vand.u32 $0x7F, v35;
	v42 =	vshll.u32 v36, $0x3  }
0x413: {  	v14 =	vand.u32 $0x7F, v36;
	v46 =	vand.u32 $0x7F, v18;
	v18 =	vshll.u32 v18, $0x3  }
0x414: {  	v47 =	vshll.u32 v40, $0x3;
	v17 =	vand.u32 $0x7F, v40;
	v49 =	vshll.u32 v43, $0x3  }
0x415: {  	v20 =	vand.u32 $0x7F, v43;
	v51 =	vshll.u32 v45, $0x3;
	v19 =	vand.u32 $0x7F, v45  }
0x416: {  	v55 =	vshll.u32 v48, $0x3;
	v56 =	vand.u32 $0x7F, v48;
	v58 =	vshll.u32 v50, $0x3  }
0x417: {  	v60 =	vand.u32 $0x7F, v50;
	v10 =	vand.u32 $0xFFFFFC00, v10;
	v15 =	vand.u32 $0xFFFFFC00, v34  }
0x418: {  	v39 =	vand.u32 $0xFFFFFC00, v38;
	v21 =	vand.u32 $0xFFFFFC00, v47;
	v10 =	vor.u32 v10, v33  }
0x419: {  	v53 =	vld [tilespmem:s14+$0x7B8];
	v11 =	vor.u32 v15, v11;
	v15 =	vand.u32 $0xFFFFFC00, v37;
	v10 =	vor.u32 $0x380, v10  }
0x41a: {  	v13 =	vor.u32 v39, v13;
	v17 =	vor.u32 v21, v17;
	v11 =	vor.u32 $0x380, v11  }
0x41b: {  	v12 =	vor.u32 v15, v12;
	v15 =	vand.u32 $0xFFFFFC00, v41;
	v13 =	vor.u32 $0x380, v13  }
0x41c: {  	v44 =	vand.u32 $0xFFFFFC00, v42;
	v57 =	vor.u32 $0x380, v17;
	v15 =	vor.u32 v15, v16  }
0x41d: {  	v18 =	vand.u32 $0xFFFFFC00, v18;
	v14 =	vor.u32 v44, v14;
	v15 =	vor.u32 $0x380, v15  }
0x41e: {  	v62 =	vshll.u32 v53, $0x3;
	v16 =	vor.u32 v18, v46;
	[tilespmem:v10+s10+$0x0] =	vst.idx.msk $0xffff, v1;
	v10 =	vor.u32 $0x380, v14  }
0x41f: {  	v63 =	vand.u32 $0x7F, v53;
	v18 =	vand.u32 $0xFFFFFC00, v49;
	[tilespmem:v11+s10+$0x0] =	vst.idx.msk $0xffff, v1;
	v11 =	vor.u32 $0x380, v16  }
0x420: {  	v52 =	vand.u32 $0xFFFFFC00, v51;
	v12 =	vor.u32 $0x380, v12;
	v18 =	vor.u32 v18, v20;
	[tilespmem:v13+s10+$0x0] =	vst.idx.msk $0xffff, v1  }
0x421: {  	v54 =	vor.u32 v52, v19;
	v17 =	vand.u32 $0xFFFFFC00, v58;
	v59 =	vor.u32 $0x380, v18;
	[tilespmem:v57+s10+$0x0] =	vst.idx.msk $0xffff, v1  }
0x422: {  	v19 =	vand.u32 $0xFFFFFC00, v55;
	v61 =	vor.u32 v17, v60;
	v14 =	vor.u32 $0x380, v54;
	[tilespmem:v15+s10+$0x0] =	vst.idx.msk $0xffff, v1  }
0x423: {  	v17 =	vand.u32 $0xFFFFFC00, v62;
	v16 =	vor.u32 v19, v56;
	v15 =	vor.u32 $0x380, v61;
	[tilespmem:v10+s10+$0x0] =	vst.idx.msk $0xffff, v1  }
0x424: {  	v10 =	vor.u32 $0x380, v16;
	[tilespmem:v11+s10+$0x0] =	vst.idx.msk $0xffff, v1;
	v11 =	vor.u32 v17, v63  }
0x425: {  	[tilespmem:v12+s10+$0x0] =	vst.idx.msk $0xffff, v1;
	v11 =	vor.u32 $0x380, v11  }
0x426: {  	[tilespmem:v59+s10+$0x0] =	vst.idx.msk $0xffff, v1  }
0x427: {  	[tilespmem:v14+s10+$0x0] =	vst.idx.msk $0xffff, v1  }
0x428: {  	[tilespmem:v15+s10+$0x0] =	vst.idx.msk $0xffff, v1  }
0x429: {  	[tilespmem:v10+s10+$0x0] =	vst.idx.msk $0xffff, v1  }
0x42a: {  	[tilespmem:v11+s10+$0x0] =	vst.idx.msk $0xffff, v1  }
0x42b: {  	[tilespmem:v6+s10+$0x0] =	vst.idx.msk $0x1, v0  }
0x42c: {  	s31 =	sshll.u32 s13, $0xD;
	[tilespmem:v7+s10+$0x0] =	vst.idx.msk $0x1, v0  }
0x42d: {  	s16 =	simm.s32 $0x80;
	s14 =	sadd.s32 s31, s6;
	[tilespmem:v8+s10+$0x0] =	vst.idx.msk $0x1, v0  }
0x42e: {  	s17 =	simm.s32 $0x8600;
	s15 =	simm.s32 $0x8200;
	s18 =	sadd.s32 $0x0, s14;
	[tilespmem:v9+s10+$0x0] =	vst.idx.msk $0x1, v0  }
.LBB2_13:
0x42f: {  	[hbm4b:s18+s3] =	stream.linear.scatter [tilespmem:s15], [sflag:$0x2], $0x200, $0x38;
	[tilespmem:$0x18000] =	vst v63  }
0x430: {  	s18 =	smov.u32 s16;
	s15 =	smov.u32 s17;
	p0 =	sne.s32 s16, $0x1F80  }
.Ltmp5:
0x431: {  	s16 =	sadd.s32 $0x80, s16;
	(pc) =	sbr.rel @p0 .LBB2_13-.Ltmp5, $2  }
0x432: {  	_ =	sdelay $0x2  }
0x433: {  	s17 =	sadd.s32 $0x400, s17;
	s18 =	sadd.s32 s18, s14  }
0x434: {  	s13 =	sadd.s32 $0x1, s13  }
0x435: {  	p0 =	sne.s32 s13, $0x10  }
.Ltmp6:
0x436: {  	_ = 	snop;
	(pc) =	sbr.rel @p0 .LBB2_10-.Ltmp6, $2  }
0x437: {  	_ =	sdelay $0x2  }
0x438: {  	[hbm4b:s18+s3] =	stream.linear.scatter [tilespmem:s15], [sflag:$0x2], $0x200, $0x38;
	[tilespmem:$0x18000] =	vst v63  }
0x439: {  	s12 =	sadd.s32 $0x1, s12  }
0x43a: {  	_ =	swait.ge [sflag:s11], $0x8000;
	p0 =	sne.s32 s12, s8  }
.Ltmp7:
0x43b: {  	[sflag:s11] =	ssyncset.done $0x0;
	(pc) =	sbr.rel @p0 .LBB2_1-.Ltmp7, $4  }
0x43c: {  	[sflag:s11] =	ssyncadd.s32 $0xFFFF8000  }
0x43d: {  	_ =	swait.ge [sflag:s9], $0x8000  }
0x43e: {  	[sflag:s9] =	ssyncset.done $0x0  }
0x43f: {  	[sflag:s9] =	ssyncadd.s32 $0xFFFF8000  }
0x440: {  	_ =	sfence.sel $0x180000  }
0x441: {  	[bflag:$0x0] =	sbarrier.arrive $0xFFFF  }
0x442: {  	p0 =	sne.s32 s1, $0x0;
	_ =	strace $0x90000047  }
0x443: {  	s0 =	sadd.s32 @!p0 $0x100000, s0;
	[bflag:$0x2] =	sbarrier.arrive $0xFFFF  }
0x444: {  	[sflag:s0] =	ssyncadd.tile.s32 @!p0 $0x1;
	_ =	shalt  }
.Lfunc_end2:
_tile_overlayer_lowered:
.L_overlay_start_2:
0x445: {  	(tag) =	ssettag $0x2  }
0x446: {  	s0 =	rddreg [dreg:$0x0];
	s2 =	stileid.u32  }
0x447: {  	s1 =	rddreg [dreg:$0x1];
	p0 =	sne.s32 s2, $0x0  }
0x448: {  	s3 =	rddreg [dreg:$0x2];
	[bflag:$0x3] =	sbarrier.arrive $0xFFFF;
	s2 =	simm.s32 @!p0 $0x1C03  }
0x449: {  	[timem:s3], [sflag:s2] =	dma.local @!p0 [hbm:s0], s1  }
0x44a: {  	s0 =	simm.s32 @!p0 $0x3  }
0x44b: {  	_ =	swait.ge @!p0 [sflag:s0], s1  }
0x44c: {  	s1 =	ssub.s32 @!p0 $0x0, s1;
	[sflag:s0] =	ssyncset.done @!p0 $0x0  }
0x44d: {  	[sflag:s0] =	ssyncadd.s32 @!p0 s1  }
0x44e: {  	[bflag:$0x3] =	sbarrier.arrive $0xFFFF  }
0x44f: {  	_ =	shalt  }

</sc_bundles>
